<compile_context>
chip_gen: v7x
topology: tpu7x:2x2x1
jax: 0.10.2.dev20260603
libtpu: 0.0.44.dev20260713+nightly
codegen_flags: <defaults>
</compile_context>

<pallas_src>
import functools

import jax
import jax.numpy as jnp
from jax import lax
from jax.experimental import pallas as pl
from jax.experimental.pallas import tpu as pltpu
from jax.experimental.pallas import tpu_sc as plsc

_NC = 2
_NS = 16
_CH = 128
_NZ = 5
_NPAD = _NS * _NZ * _CH


def _sc_aggregate(feat, src1d, dst1d, zeros_hbm, ones_hbm, iota_hbm,
                  *, with_cnt):
    n_pad, d = feat.shape
    assert n_pad == _NPAD
    e_pad = src1d.shape[0]
    cpt = e_pad // (_NC * _NS * _CH)
    assert e_pad == cpt * _NC * _NS * _CH

    out_type = [jax.ShapeDtypeStruct((_NC, n_pad, d), jnp.float32)]
    if with_cnt:
        out_type.append(jax.ShapeDtypeStruct((_NC, n_pad), jnp.float32))

    scratch = [
        pltpu.VMEM((_CH,), jnp.int32),
        pltpu.VMEM((_CH,), jnp.int32),
        pltpu.VMEM((_CH, d), jnp.float32),
        pltpu.VMEM((_CH,), jnp.float32),
        pltpu.VMEM_SHARED((n_pad, d), jnp.float32),
        pltpu.SemaphoreType.DMA,
        pltpu.SemaphoreType.DMA,
    ]
    if with_cnt:
        scratch.append(pltpu.VMEM_SHARED((n_pad,), jnp.float32))

    def body(feat_hbm, src_hbm, dst_hbm, z_hbm, o_hbm, iota_hbm,
             psum_hbm, *rest):
        if with_cnt:
            pcnt_hbm, src_v, dst_v, rows_v, c_v, acc, sem, semi, cacc = rest
        else:
            src_v, dst_v, rows_v, c_v, acc, sem, semi = rest

        cid = lax.axis_index("c")
        sid = lax.axis_index("s")
        wid = cid * _NS + sid

        pltpu.sync_copy(z_hbm, rows_v)
        pltpu.sync_copy(z_hbm.at[0], c_v)
        zbase = sid * (_NZ * _CH)
        for k in range(_NZ):
            pltpu.sync_copy(iota_hbm.at[pl.ds(zbase + k * _CH, _CH)], src_v)
            pltpu.sync_copy(rows_v, acc.at[src_v])
            if with_cnt:
                pltpu.sync_copy(c_v, cacc.at[src_v])
        if with_cnt:
            pltpu.sync_copy(o_hbm, c_v)
        plsc.subcore_barrier()

        def step(j, carry):
            off = (wid * cpt + j) * _CH
            dcp = pltpu.async_copy(dst_hbm.at[pl.ds(off, _CH)], dst_v, semi)
            pltpu.sync_copy(src_hbm.at[pl.ds(off, _CH)], src_v)
            pltpu.async_copy(feat_hbm.at[src_v], rows_v, sem).wait()
            dcp.wait()
            if with_cnt:
                ccp = pltpu.async_copy(c_v, cacc.at[dst_v], semi, add=True)
            pltpu.sync_copy(rows_v, acc.at[dst_v], add=True)
            if with_cnt:
                ccp.wait()
            return carry

        lax.fori_loop(0, cpt, step, 0)
        plsc.subcore_barrier()

        for k in range(_NZ):
            base = zbase + k * _CH
            pltpu.sync_copy(iota_hbm.at[pl.ds(base, _CH)], src_v)
            pltpu.async_copy(acc.at[src_v], rows_v, sem).wait()
            pltpu.sync_copy(rows_v, psum_hbm.at[cid, pl.ds(base, _CH)])
            if with_cnt:
                pltpu.async_copy(cacc.at[src_v], c_v, sem).wait()
                pltpu.sync_copy(c_v, pcnt_hbm.at[cid, pl.ds(base, _CH)])

    mesh = plsc.VectorSubcoreMesh(core_axis_name="c", subcore_axis_name="s")
    fn = pl.kernel(body, out_type=out_type, mesh=mesh, scratch_types=scratch)
    return fn(feat, src1d, dst1d, zeros_hbm, ones_hbm, iota_hbm)


def _dense_body(relu, psum_ref, cnt_ref, x_ref, wl_ref, wr_ref, b_ref, o_ref):
    s = psum_ref[0] + psum_ref[1]
    c = cnt_ref[0] + cnt_ref[1]
    agg = s * (1.0 / jnp.maximum(c, 1.0))
    y = jnp.dot(agg, wl_ref[...], preferred_element_type=jnp.float32)
    y = y + jnp.dot(x_ref[...], wr_ref[...], preferred_element_type=jnp.float32)
    y = y + b_ref[...]
    o_ref[...] = jnp.maximum(y, 0.0) if relu else y


def _dense(psum, pcnt3, x, wlT, wrT, b, *, relu, block_rows=512):
    n, d = x.shape
    hid = wlT.shape[1]
    assert n % block_rows == 0
    grid = (n // block_rows,)
    return pl.pallas_call(
        functools.partial(_dense_body, relu),
        grid=grid,
        in_specs=[
            pl.BlockSpec((_NC, block_rows, d), lambda i: (0, i, 0)),
            pl.BlockSpec((_NC, block_rows, 1), lambda i: (0, i, 0)),
            pl.BlockSpec((block_rows, d), lambda i: (i, 0)),
            pl.BlockSpec((d, hid), lambda i: (0, 0)),
            pl.BlockSpec((d, hid), lambda i: (0, 0)),
            pl.BlockSpec((1, hid), lambda i: (0, 0)),
        ],
        out_specs=pl.BlockSpec((block_rows, hid), lambda i: (i, 0)),
        out_shape=jax.ShapeDtypeStruct((n, hid), jnp.float32),
    )(psum, pcnt3, x, wlT, wrT, b)


def kernel(x, edge_index, W1l, b1l, W1r, W2l, b2l, W2r):
    n, d = x.shape
    e = edge_index.shape[1]
    assert n <= _NPAD

    e_pad = -(-e // (_NC * _NS * _CH)) * (_NC * _NS * _CH)
    src1d = jnp.concatenate(
        [edge_index[0], jnp.zeros((e_pad - e,), jnp.int32)])
    dst1d = jnp.concatenate(
        [edge_index[1], jnp.full((e_pad - e,), n, jnp.int32)])
    zeros = jnp.zeros((_CH, d), jnp.float32)
    ones = jnp.ones((_CH,), jnp.float32)
    iota = jnp.arange(_NPAD, dtype=jnp.int32)
    x_pad = jnp.concatenate(
        [x, jnp.zeros((_NPAD - n, d), jnp.float32)], axis=0)

    psum1, pcnt = _sc_aggregate(x_pad, src1d, dst1d, zeros, ones, iota,
                                with_cnt=True)
    pcnt3 = pcnt[..., None]
    h = _dense(psum1, pcnt3, x_pad, W1l.T, W1r.T, b1l.reshape(1, -1),
               relu=True)
    psum2 = _sc_aggregate(h, src1d, dst1d, zeros, ones, iota,
                          with_cnt=False)[0]
    out = _dense(psum2, pcnt3, h, W2l.T, W2r.T, b2l.reshape(1, -1),
                 relu=False)
    return out[:n]

# --- scband reference (transcript-rebuilt; emitter-appended) ---
"""Pipeline reference for scband-graph-sageencoder-23587960390185 (READ-ONLY COPY).

The authoritative reference and input builder live on the scoring server;
editing this copy changes nothing except your own understanding.
"""

import jax, jax.numpy as jnp
import numpy as np

N = 10000
E = 320000
IN_DIM = 128
HID = 128
OUT = 128


def setup_inputs(seed: int = 0) -> dict:
    key = jax.random.key(seed)
    ks = jax.random.split(key, 8)
    x = jax.random.normal(ks[0], (N, IN_DIM), dtype=jnp.float32)
    edge_index = jax.random.randint(ks[1], (2, E), 0, N, dtype=jnp.int32)
    # SAGEConv layer 1 params: lin_l (neighbor agg, with bias), lin_r (root, no bias)
    W1l = jax.random.normal(ks[2], (HID, IN_DIM), dtype=jnp.float32) * 0.05
    b1l = jnp.zeros((HID,), dtype=jnp.float32)
    W1r = jax.random.normal(ks[3], (HID, IN_DIM), dtype=jnp.float32) * 0.05
    # SAGEConv layer 2 params
    W2l = jax.random.normal(ks[4], (OUT, HID), dtype=jnp.float32) * 0.05
    b2l = jnp.zeros((OUT,), dtype=jnp.float32)
    W2r = jax.random.normal(ks[5], (OUT, HID), dtype=jnp.float32) * 0.05
    return {"x": x, "edge_index": edge_index, "W1l": W1l, "b1l": b1l, "W1r": W1r,
            "W2l": W2l, "b2l": b2l, "W2r": W2r}


def _sage_conv(x, src, dst, Wl, bl, Wr, num_nodes):
    # PyG SAGEConv with mean aggregation:
    # out = lin_l(mean_{j in N(i)} x_j) + lin_r(x_i)
    msgs = jnp.take(x, src, axis=0)                      # gather  [E, d]
    summed = jax.ops.segment_sum(msgs, dst, num_segments=num_nodes)
    cnt = jax.ops.segment_sum(jnp.ones((src.shape[0], 1), dtype=x.dtype), dst,
                              num_segments=num_nodes)
    agg = summed / jnp.maximum(cnt, 1.0)                 # mean aggregation
    return agg @ Wl.T + bl + x @ Wr.T


def reference(x, edge_index, W1l, b1l, W1r, W2l, b2l, W2r):
    src = edge_index[0]
    dst = edge_index[1]
    n = x.shape[0]
    h = _sage_conv(x, src, dst, W1l, b1l, W1r, n)
    h = jax.nn.relu(h)
    # dropout p=0.0 / eval mode: identity
    h = _sage_conv(h, src, dst, W2l, b2l, W2r, n)
    return h

if __name__ == "__main__":
    import jax
    _d = setup_inputs()
    print(jax.jit(kernel)(*tuple(_d.values())))

</pallas_src>

<mosaic_0001>
#map = affine_map<(d0, d1) -> (0, 0)>
#map1 = affine_map<(d0, d1) -> (0)>
#map2 = affine_map<(d0, d1) -> (0, 0, 0)>
module attributes {stable_mosaic.version = 14 : i64} {
  func.func @body(%arg0: i32, %arg1: i32, %arg2: memref<10240x128xf32, #tpu.memory_space<hbm>>, %arg3: memref<323584xi32, #tpu.memory_space<hbm>>, %arg4: memref<323584xi32, #tpu.memory_space<hbm>>, %arg5: memref<128x128xf32, #tpu.memory_space<hbm>>, %arg6: memref<128xf32, #tpu.memory_space<hbm>>, %arg7: memref<10240xi32, #tpu.memory_space<hbm>>, %arg8: memref<2x10240x128xf32, #tpu.memory_space<hbm>>, %arg9: memref<2x10240xf32, #tpu.memory_space<hbm>>, %arg10: memref<128xi32, #tpu.memory_space<vmem>>, %arg11: memref<128xi32, #tpu.memory_space<vmem>>, %arg12: memref<128x128xf32, #tpu.memory_space<vmem>>, %arg13: memref<128xf32, #tpu.memory_space<vmem>>, %arg14: memref<10240x128xf32, #tpu.memory_space<vmem_shared>>, %arg15: memref<!tpu.dma_semaphore, #tpu.memory_space<semaphore_mem>>, %arg16: memref<!tpu.dma_semaphore, #tpu.memory_space<semaphore_mem>>, %arg17: memref<10240xf32, #tpu.memory_space<vmem_shared>>) attributes {dimension_semantics = [#tpu.dimension_semantics<core_parallel>, #tpu.dimension_semantics<subcore_parallel>], iteration_bounds = array<i64: 2, 16>, scalar_prefetch = 0 : i64, scratch_operands = 8 : i64, tpu.core_type = #tpu.core_type<sc_vector_subcore>, window_params = [{transform_indices = #map}, {transform_indices = #map1}, {transform_indices = #map1}, {transform_indices = #map}, {transform_indices = #map1}, {transform_indices = #map1}, {transform_indices = #map2}, {transform_indices = #map}]} {
    %mul3A = arith.constant 16 : i32
    %mul3A_0 = arith.muli %arg0, %mul3A : i32
    %add3A = arith.addi %mul3A_0, %arg1 : i32
    "tpu.region"() ({
      %run_scoped3A_77 = tpu.sem_alloc : memref<!tpu.dma_semaphore, #tpu.memory_space<semaphore_mem>>
      tpu.enqueue_dma source(%arg5 : memref<128x128xf32, #tpu.memory_space<hbm>>) target(%arg12 : memref<128x128xf32, #tpu.memory_space<vmem>>) target_semaphore(%run_scoped3A_77 : memref<!tpu.dma_semaphore, #tpu.memory_space<semaphore_mem>>)
      tpu.wait_dma2 semaphore(%run_scoped3A_77 : memref<!tpu.dma_semaphore, #tpu.memory_space<semaphore_mem>>) src(%arg5 : memref<128x128xf32, #tpu.memory_space<hbm>>) dst(%arg12 : memref<128x128xf32, #tpu.memory_space<vmem>>)
      tpu.yield
    }) : () -> ()
    %run_scoped3A = arith.constant 0 : i32
    "tpu.region"() ({
      %run_scoped3A_77 = tpu.sem_alloc : memref<!tpu.dma_semaphore, #tpu.memory_space<semaphore_mem>>
      %dma_start3A_78 = arith.constant 0 : i32
      %dma_start3A_79 = tpu.memref_slice %arg5[%run_scoped3A, %dma_start3A_78] : memref<128x128xf32, #tpu.memory_space<hbm>> -> memref<1x128xf32, #tpu.memory_space<hbm>>
      %dma_start3A_80 = tpu.memref_squeeze %dma_start3A_79 : memref<1x128xf32, #tpu.memory_space<hbm>> -> memref<128xf32, #tpu.memory_space<hbm>>
      %dma_start3A_81 = arith.constant 0 : i32
      %dma_start3A_82 = tpu.memref_slice %arg5[%run_scoped3A, %dma_start3A_81] : memref<128x128xf32, #tpu.memory_space<hbm>> -> memref<1x128xf32, #tpu.memory_space<hbm>>
      %dma_start3A_83 = tpu.memref_squeeze %dma_start3A_82 : memref<1x128xf32, #tpu.memory_space<hbm>> -> memref<128xf32, #tpu.memory_space<hbm>>
      tpu.enqueue_dma source(%dma_start3A_83 : memref<128xf32, #tpu.memory_space<hbm>>) target(%arg13 : memref<128xf32, #tpu.memory_space<vmem>>) target_semaphore(%run_scoped3A_77 : memref<!tpu.dma_semaphore, #tpu.memory_space<semaphore_mem>>)
      %dma_wait3A_84 = arith.constant 0 : i32
      %dma_wait3A_85 = tpu.memref_slice %arg5[%run_scoped3A, %dma_wait3A_84] : memref<128x128xf32, #tpu.memory_space<hbm>> -> memref<1x128xf32, #tpu.memory_space<hbm>>
      %dma_wait3A_86 = tpu.memref_squeeze %dma_wait3A_85 : memref<1x128xf32, #tpu.memory_space<hbm>> -> memref<128xf32, #tpu.memory_space<hbm>>
      %dma_wait3A_87 = arith.constant 0 : i32
      %dma_wait3A_88 = tpu.memref_slice %arg5[%run_scoped3A, %dma_wait3A_87] : memref<128x128xf32, #tpu.memory_space<hbm>> -> memref<1x128xf32, #tpu.memory_space<hbm>>
      %dma_wait3A_89 = tpu.memref_squeeze %dma_wait3A_88 : memref<1x128xf32, #tpu.memory_space<hbm>> -> memref<128xf32, #tpu.memory_space<hbm>>
      tpu.wait_dma2 semaphore(%run_scoped3A_77 : memref<!tpu.dma_semaphore, #tpu.memory_space<semaphore_mem>>) src(%dma_wait3A_89 : memref<128xf32, #tpu.memory_space<hbm>>) dst(%arg13 : memref<128xf32, #tpu.memory_space<vmem>>)
      tpu.yield
    }) : () -> ()
    %mul3A_1 = arith.constant 640 : i32
    %mul3A_2 = arith.muli %arg1, %mul3A_1 : i32
    %add3A_3 = arith.constant 0 : i32
    %add3A_4 = arith.addi %mul3A_2, %add3A_3 : i32
    "tpu.region"() ({
      %run_scoped3A_77 = tpu.sem_alloc : memref<!tpu.dma_semaphore, #tpu.memory_space<semaphore_mem>>
      %dma_start3A_78 = tpu.memref_slice %arg7[%add3A_4] : memref<10240xi32, #tpu.memory_space<hbm>> -> memref<128xi32, #tpu.memory_space<hbm>>
      %dma_start3A_79 = tpu.memref_slice %arg7[%add3A_4] : memref<10240xi32, #tpu.memory_space<hbm>> -> memref<128xi32, #tpu.memory_space<hbm>>
      tpu.enqueue_dma source(%dma_start3A_79 : memref<128xi32, #tpu.memory_space<hbm>>) target(%arg10 : memref<128xi32, #tpu.memory_space<vmem>>) target_semaphore(%run_scoped3A_77 : memref<!tpu.dma_semaphore, #tpu.memory_space<semaphore_mem>>)
      %dma_wait3A_80 = tpu.memref_slice %arg7[%add3A_4] : memref<10240xi32, #tpu.memory_space<hbm>> -> memref<128xi32, #tpu.memory_space<hbm>>
      %dma_wait3A_81 = tpu.memref_slice %arg7[%add3A_4] : memref<10240xi32, #tpu.memory_space<hbm>> -> memref<128xi32, #tpu.memory_space<hbm>>
      tpu.wait_dma2 semaphore(%run_scoped3A_77 : memref<!tpu.dma_semaphore, #tpu.memory_space<semaphore_mem>>) src(%dma_wait3A_81 : memref<128xi32, #tpu.memory_space<hbm>>) dst(%arg10 : memref<128xi32, #tpu.memory_space<vmem>>)
      tpu.yield
    }) : () -> ()
    "tpu.region"() ({
      %run_scoped3A_77 = tpu.sem_alloc : memref<!tpu.dma_semaphore, #tpu.memory_space<semaphore_mem>>
      %dma_start3A_78 = arith.constant 0 : i32
      %dma_start3A_79 = arith.constant 0 : i32
      %dma_start3A_80 = tpu.memref_slice %arg14[%dma_start3A_78, %dma_start3A_79] : memref<10240x128xf32, #tpu.memory_space<vmem_shared>> -> memref<10240x128xf32, #tpu.memory_space<vmem_shared>>
      tpu.enqueue_indirect_dma source(%arg12 : memref<128x128xf32, #tpu.memory_space<vmem>>) target(%dma_start3A_80 : memref<10240x128xf32, #tpu.memory_space<vmem_shared>>) offsets(%arg10 : memref<128xi32, #tpu.memory_space<vmem>>) semaphore(%run_scoped3A_77 : memref<!tpu.dma_semaphore, #tpu.memory_space<semaphore_mem>>)
      %dma_wait3A_81 = arith.constant 0 : i32
      %dma_wait3A_82 = arith.constant 0 : i32
      %dma_wait3A_83 = tpu.memref_slice %arg14[%dma_wait3A_81, %dma_wait3A_82] : memref<10240x128xf32, #tpu.memory_space<vmem_shared>> -> memref<10240x128xf32, #tpu.memory_space<vmem_shared>>
      tpu.wait_indirect_dma semaphore(%run_scoped3A_77 : memref<!tpu.dma_semaphore, #tpu.memory_space<semaphore_mem>>) src(%arg12 : memref<128x128xf32, #tpu.memory_space<vmem>>) dst(%dma_wait3A_83 : memref<10240x128xf32, #tpu.memory_space<vmem_shared>>)
      tpu.yield
    }) : () -> ()
    "tpu.region"() ({
      %run_scoped3A_77 = tpu.sem_alloc : memref<!tpu.dma_semaphore, #tpu.memory_space<semaphore_mem>>
      %dma_start3A_78 = arith.constant 0 : i32
      %dma_start3A_79 = tpu.memref_slice %arg17[%dma_start3A_78] : memref<10240xf32, #tpu.memory_space<vmem_shared>> -> memref<10240xf32, #tpu.memory_space<vmem_shared>>
      tpu.enqueue_indirect_dma source(%arg13 : memref<128xf32, #tpu.memory_space<vmem>>) target(%dma_start3A_79 : memref<10240xf32, #tpu.memory_space<vmem_shared>>) offsets(%arg10 : memref<128xi32, #tpu.memory_space<vmem>>) semaphore(%run_scoped3A_77 : memref<!tpu.dma_semaphore, #tpu.memory_space<semaphore_mem>>)
      %dma_wait3A_80 = arith.constant 0 : i32
      %dma_wait3A_81 = tpu.memref_slice %arg17[%dma_wait3A_80] : memref<10240xf32, #tpu.memory_space<vmem_shared>> -> memref<10240xf32, #tpu.memory_space<vmem_shared>>
      tpu.wait_indirect_dma semaphore(%run_scoped3A_77 : memref<!tpu.dma_semaphore, #tpu.memory_space<semaphore_mem>>) src(%arg13 : memref<128xf32, #tpu.memory_space<vmem>>) dst(%dma_wait3A_81 : memref<10240xf32, #tpu.memory_space<vmem_shared>>)
      tpu.yield
    }) : () -> ()
    %add3A_5 = arith.constant 128 : i32
    %add3A_6 = arith.addi %mul3A_2, %add3A_5 : i32
    "tpu.region"() ({
      %run_scoped3A_77 = tpu.sem_alloc : memref<!tpu.dma_semaphore, #tpu.memory_space<semaphore_mem>>
      %dma_start3A_78 = tpu.memref_slice %arg7[%add3A_6] : memref<10240xi32, #tpu.memory_space<hbm>> -> memref<128xi32, #tpu.memory_space<hbm>>
      %dma_start3A_79 = tpu.memref_slice %arg7[%add3A_6] : memref<10240xi32, #tpu.memory_space<hbm>> -> memref<128xi32, #tpu.memory_space<hbm>>
      tpu.enqueue_dma source(%dma_start3A_79 : memref<128xi32, #tpu.memory_space<hbm>>) target(%arg10 : memref<128xi32, #tpu.memory_space<vmem>>) target_semaphore(%run_scoped3A_77 : memref<!tpu.dma_semaphore, #tpu.memory_space<semaphore_mem>>)
      %dma_wait3A_80 = tpu.memref_slice %arg7[%add3A_6] : memref<10240xi32, #tpu.memory_space<hbm>> -> memref<128xi32, #tpu.memory_space<hbm>>
      %dma_wait3A_81 = tpu.memref_slice %arg7[%add3A_6] : memref<10240xi32, #tpu.memory_space<hbm>> -> memref<128xi32, #tpu.memory_space<hbm>>
      tpu.wait_dma2 semaphore(%run_scoped3A_77 : memref<!tpu.dma_semaphore, #tpu.memory_space<semaphore_mem>>) src(%dma_wait3A_81 : memref<128xi32, #tpu.memory_space<hbm>>) dst(%arg10 : memref<128xi32, #tpu.memory_space<vmem>>)
      tpu.yield
    }) : () -> ()
    "tpu.region"() ({
      %run_scoped3A_77 = tpu.sem_alloc : memref<!tpu.dma_semaphore, #tpu.memory_space<semaphore_mem>>
      %dma_start3A_78 = arith.constant 0 : i32
      %dma_start3A_79 = arith.constant 0 : i32
      %dma_start3A_80 = tpu.memref_slice %arg14[%dma_start3A_78, %dma_start3A_79] : memref<10240x128xf32, #tpu.memory_space<vmem_shared>> -> memref<10240x128xf32, #tpu.memory_space<vmem_shared>>
      tpu.enqueue_indirect_dma source(%arg12 : memref<128x128xf32, #tpu.memory_space<vmem>>) target(%dma_start3A_80 : memref<10240x128xf32, #tpu.memory_space<vmem_shared>>) offsets(%arg10 : memref<128xi32, #tpu.memory_space<vmem>>) semaphore(%run_scoped3A_77 : memref<!tpu.dma_semaphore, #tpu.memory_space<semaphore_mem>>)
      %dma_wait3A_81 = arith.constant 0 : i32
      %dma_wait3A_82 = arith.constant 0 : i32
      %dma_wait3A_83 = tpu.memref_slice %arg14[%dma_wait3A_81, %dma_wait3A_82] : memref<10240x128xf32, #tpu.memory_space<vmem_shared>> -> memref<10240x128xf32, #tpu.memory_space<vmem_shared>>
      tpu.wait_indirect_dma semaphore(%run_scoped3A_77 : memref<!tpu.dma_semaphore, #tpu.memory_space<semaphore_mem>>) src(%arg12 : memref<128x128xf32, #tpu.memory_space<vmem>>) dst(%dma_wait3A_83 : memref<10240x128xf32, #tpu.memory_space<vmem_shared>>)
      tpu.yield
    }) : () -> ()
    "tpu.region"() ({
      %run_scoped3A_77 = tpu.sem_alloc : memref<!tpu.dma_semaphore, #tpu.memory_space<semaphore_mem>>
      %dma_start3A_78 = arith.constant 0 : i32
      %dma_start3A_79 = tpu.memref_slice %arg17[%dma_start3A_78] : memref<10240xf32, #tpu.memory_space<vmem_shared>> -> memref<10240xf32, #tpu.memory_space<vmem_shared>>
      tpu.enqueue_indirect_dma source(%arg13 : memref<128xf32, #tpu.memory_space<vmem>>) target(%dma_start3A_79 : memref<10240xf32, #tpu.memory_space<vmem_shared>>) offsets(%arg10 : memref<128xi32, #tpu.memory_space<vmem>>) semaphore(%run_scoped3A_77 : memref<!tpu.dma_semaphore, #tpu.memory_space<semaphore_mem>>)
      %dma_wait3A_80 = arith.constant 0 : i32
      %dma_wait3A_81 = tpu.memref_slice %arg17[%dma_wait3A_80] : memref<10240xf32, #tpu.memory_space<vmem_shared>> -> memref<10240xf32, #tpu.memory_space<vmem_shared>>
      tpu.wait_indirect_dma semaphore(%run_scoped3A_77 : memref<!tpu.dma_semaphore, #tpu.memory_space<semaphore_mem>>) src(%arg13 : memref<128xf32, #tpu.memory_space<vmem>>) dst(%dma_wait3A_81 : memref<10240xf32, #tpu.memory_space<vmem_shared>>)
      tpu.yield
    }) : () -> ()
    %add3A_7 = arith.constant 256 : i32
    %add3A_8 = arith.addi %mul3A_2, %add3A_7 : i32
    "tpu.region"() ({
      %run_scoped3A_77 = tpu.sem_alloc : memref<!tpu.dma_semaphore, #tpu.memory_space<semaphore_mem>>
      %dma_start3A_78 = tpu.memref_slice %arg7[%add3A_8] : memref<10240xi32, #tpu.memory_space<hbm>> -> memref<128xi32, #tpu.memory_space<hbm>>
      %dma_start3A_79 = tpu.memref_slice %arg7[%add3A_8] : memref<10240xi32, #tpu.memory_space<hbm>> -> memref<128xi32, #tpu.memory_space<hbm>>
      tpu.enqueue_dma source(%dma_start3A_79 : memref<128xi32, #tpu.memory_space<hbm>>) target(%arg10 : memref<128xi32, #tpu.memory_space<vmem>>) target_semaphore(%run_scoped3A_77 : memref<!tpu.dma_semaphore, #tpu.memory_space<semaphore_mem>>)
      %dma_wait3A_80 = tpu.memref_slice %arg7[%add3A_8] : memref<10240xi32, #tpu.memory_space<hbm>> -> memref<128xi32, #tpu.memory_space<hbm>>
      %dma_wait3A_81 = tpu.memref_slice %arg7[%add3A_8] : memref<10240xi32, #tpu.memory_space<hbm>> -> memref<128xi32, #tpu.memory_space<hbm>>
      tpu.wait_dma2 semaphore(%run_scoped3A_77 : memref<!tpu.dma_semaphore, #tpu.memory_space<semaphore_mem>>) src(%dma_wait3A_81 : memref<128xi32, #tpu.memory_space<hbm>>) dst(%arg10 : memref<128xi32, #tpu.memory_space<vmem>>)
      tpu.yield
    }) : () -> ()
    "tpu.region"() ({
      %run_scoped3A_77 = tpu.sem_alloc : memref<!tpu.dma_semaphore, #tpu.memory_space<semaphore_mem>>
      %dma_start3A_78 = arith.constant 0 : i32
      %dma_start3A_79 = arith.constant 0 : i32
      %dma_start3A_80 = tpu.memref_slice %arg14[%dma_start3A_78, %dma_start3A_79] : memref<10240x128xf32, #tpu.memory_space<vmem_shared>> -> memref<10240x128xf32, #tpu.memory_space<vmem_shared>>
      tpu.enqueue_indirect_dma source(%arg12 : memref<128x128xf32, #tpu.memory_space<vmem>>) target(%dma_start3A_80 : memref<10240x128xf32, #tpu.memory_space<vmem_shared>>) offsets(%arg10 : memref<128xi32, #tpu.memory_space<vmem>>) semaphore(%run_scoped3A_77 : memref<!tpu.dma_semaphore, #tpu.memory_space<semaphore_mem>>)
      %dma_wait3A_81 = arith.constant 0 : i32
      %dma_wait3A_82 = arith.constant 0 : i32
      %dma_wait3A_83 = tpu.memref_slice %arg14[%dma_wait3A_81, %dma_wait3A_82] : memref<10240x128xf32, #tpu.memory_space<vmem_shared>> -> memref<10240x128xf32, #tpu.memory_space<vmem_shared>>
      tpu.wait_indirect_dma semaphore(%run_scoped3A_77 : memref<!tpu.dma_semaphore, #tpu.memory_space<semaphore_mem>>) src(%arg12 : memref<128x128xf32, #tpu.memory_space<vmem>>) dst(%dma_wait3A_83 : memref<10240x128xf32, #tpu.memory_space<vmem_shared>>)
      tpu.yield
    }) : () -> ()
    "tpu.region"() ({
      %run_scoped3A_77 = tpu.sem_alloc : memref<!tpu.dma_semaphore, #tpu.memory_space<semaphore_mem>>
      %dma_start3A_78 = arith.constant 0 : i32
      %dma_start3A_79 = tpu.memref_slice %arg17[%dma_start3A_78] : memref<10240xf32, #tpu.memory_space<vmem_shared>> -> memref<10240xf32, #tpu.memory_space<vmem_shared>>
      tpu.enqueue_indirect_dma source(%arg13 : memref<128xf32, #tpu.memory_space<vmem>>) target(%dma_start3A_79 : memref<10240xf32, #tpu.memory_space<vmem_shared>>) offsets(%arg10 : memref<128xi32, #tpu.memory_space<vmem>>) semaphore(%run_scoped3A_77 : memref<!tpu.dma_semaphore, #tpu.memory_space<semaphore_mem>>)
      %dma_wait3A_80 = arith.constant 0 : i32
      %dma_wait3A_81 = tpu.memref_slice %arg17[%dma_wait3A_80] : memref<10240xf32, #tpu.memory_space<vmem_shared>> -> memref<10240xf32, #tpu.memory_space<vmem_shared>>
      tpu.wait_indirect_dma semaphore(%run_scoped3A_77 : memref<!tpu.dma_semaphore, #tpu.memory_space<semaphore_mem>>) src(%arg13 : memref<128xf32, #tpu.memory_space<vmem>>) dst(%dma_wait3A_81 : memref<10240xf32, #tpu.memory_space<vmem_shared>>)
      tpu.yield
    }) : () -> ()
    %add3A_9 = arith.constant 384 : i32
    %add3A_10 = arith.addi %mul3A_2, %add3A_9 : i32
    "tpu.region"() ({
      %run_scoped3A_77 = tpu.sem_alloc : memref<!tpu.dma_semaphore, #tpu.memory_space<semaphore_mem>>
      %dma_start3A_78 = tpu.memref_slice %arg7[%add3A_10] : memref<10240xi32, #tpu.memory_space<hbm>> -> memref<128xi32, #tpu.memory_space<hbm>>
      %dma_start3A_79 = tpu.memref_slice %arg7[%add3A_10] : memref<10240xi32, #tpu.memory_space<hbm>> -> memref<128xi32, #tpu.memory_space<hbm>>
      tpu.enqueue_dma source(%dma_start3A_79 : memref<128xi32, #tpu.memory_space<hbm>>) target(%arg10 : memref<128xi32, #tpu.memory_space<vmem>>) target_semaphore(%run_scoped3A_77 : memref<!tpu.dma_semaphore, #tpu.memory_space<semaphore_mem>>)
      %dma_wait3A_80 = tpu.memref_slice %arg7[%add3A_10] : memref<10240xi32, #tpu.memory_space<hbm>> -> memref<128xi32, #tpu.memory_space<hbm>>
      %dma_wait3A_81 = tpu.memref_slice %arg7[%add3A_10] : memref<10240xi32, #tpu.memory_space<hbm>> -> memref<128xi32, #tpu.memory_space<hbm>>
      tpu.wait_dma2 semaphore(%run_scoped3A_77 : memref<!tpu.dma_semaphore, #tpu.memory_space<semaphore_mem>>) src(%dma_wait3A_81 : memref<128xi32, #tpu.memory_space<hbm>>) dst(%arg10 : memref<128xi32, #tpu.memory_space<vmem>>)
      tpu.yield
    }) : () -> ()
    "tpu.region"() ({
      %run_scoped3A_77 = tpu.sem_alloc : memref<!tpu.dma_semaphore, #tpu.memory_space<semaphore_mem>>
      %dma_start3A_78 = arith.constant 0 : i32
      %dma_start3A_79 = arith.constant 0 : i32
      %dma_start3A_80 = tpu.memref_slice %arg14[%dma_start3A_78, %dma_start3A_79] : memref<10240x128xf32, #tpu.memory_space<vmem_shared>> -> memref<10240x128xf32, #tpu.memory_space<vmem_shared>>
      tpu.enqueue_indirect_dma source(%arg12 : memref<128x128xf32, #tpu.memory_space<vmem>>) target(%dma_start3A_80 : memref<10240x128xf32, #tpu.memory_space<vmem_shared>>) offsets(%arg10 : memref<128xi32, #tpu.memory_space<vmem>>) semaphore(%run_scoped3A_77 : memref<!tpu.dma_semaphore, #tpu.memory_space<semaphore_mem>>)
      %dma_wait3A_81 = arith.constant 0 : i32
      %dma_wait3A_82 = arith.constant 0 : i32
      %dma_wait3A_83 = tpu.memref_slice %arg14[%dma_wait3A_81, %dma_wait3A_82] : memref<10240x128xf32, #tpu.memory_space<vmem_shared>> -> memref<10240x128xf32, #tpu.memory_space<vmem_shared>>
      tpu.wait_indirect_dma semaphore(%run_scoped3A_77 : memref<!tpu.dma_semaphore, #tpu.memory_space<semaphore_mem>>) src(%arg12 : memref<128x128xf32, #tpu.memory_space<vmem>>) dst(%dma_wait3A_83 : memref<10240x128xf32, #tpu.memory_space<vmem_shared>>)
      tpu.yield
    }) : () -> ()
    "tpu.region"() ({
      %run_scoped3A_77 = tpu.sem_alloc : memref<!tpu.dma_semaphore, #tpu.memory_space<semaphore_mem>>
      %dma_start3A_78 = arith.constant 0 : i32
      %dma_start3A_79 = tpu.memref_slice %arg17[%dma_start3A_78] : memref<10240xf32, #tpu.memory_space<vmem_shared>> -> memref<10240xf32, #tpu.memory_space<vmem_shared>>
      tpu.enqueue_indirect_dma source(%arg13 : memref<128xf32, #tpu.memory_space<vmem>>) target(%dma_start3A_79 : memref<10240xf32, #tpu.memory_space<vmem_shared>>) offsets(%arg10 : memref<128xi32, #tpu.memory_space<vmem>>) semaphore(%run_scoped3A_77 : memref<!tpu.dma_semaphore, #tpu.memory_space<semaphore_mem>>)
      %dma_wait3A_80 = arith.constant 0 : i32
      %dma_wait3A_81 = tpu.memref_slice %arg17[%dma_wait3A_80] : memref<10240xf32, #tpu.memory_space<vmem_shared>> -> memref<10240xf32, #tpu.memory_space<vmem_shared>>
      tpu.wait_indirect_dma semaphore(%run_scoped3A_77 : memref<!tpu.dma_semaphore, #tpu.memory_space<semaphore_mem>>) src(%arg13 : memref<128xf32, #tpu.memory_space<vmem>>) dst(%dma_wait3A_81 : memref<10240xf32, #tpu.memory_space<vmem_shared>>)
      tpu.yield
    }) : () -> ()
    %add3A_11 = arith.constant 512 : i32
    %add3A_12 = arith.addi %mul3A_2, %add3A_11 : i32
    "tpu.region"() ({
      %run_scoped3A_77 = tpu.sem_alloc : memref<!tpu.dma_semaphore, #tpu.memory_space<semaphore_mem>>
      %dma_start3A_78 = tpu.memref_slice %arg7[%add3A_12] : memref<10240xi32, #tpu.memory_space<hbm>> -> memref<128xi32, #tpu.memory_space<hbm>>
      %dma_start3A_79 = tpu.memref_slice %arg7[%add3A_12] : memref<10240xi32, #tpu.memory_space<hbm>> -> memref<128xi32, #tpu.memory_space<hbm>>
      tpu.enqueue_dma source(%dma_start3A_79 : memref<128xi32, #tpu.memory_space<hbm>>) target(%arg10 : memref<128xi32, #tpu.memory_space<vmem>>) target_semaphore(%run_scoped3A_77 : memref<!tpu.dma_semaphore, #tpu.memory_space<semaphore_mem>>)
      %dma_wait3A_80 = tpu.memref_slice %arg7[%add3A_12] : memref<10240xi32, #tpu.memory_space<hbm>> -> memref<128xi32, #tpu.memory_space<hbm>>
      %dma_wait3A_81 = tpu.memref_slice %arg7[%add3A_12] : memref<10240xi32, #tpu.memory_space<hbm>> -> memref<128xi32, #tpu.memory_space<hbm>>
      tpu.wait_dma2 semaphore(%run_scoped3A_77 : memref<!tpu.dma_semaphore, #tpu.memory_space<semaphore_mem>>) src(%dma_wait3A_81 : memref<128xi32, #tpu.memory_space<hbm>>) dst(%arg10 : memref<128xi32, #tpu.memory_space<vmem>>)
      tpu.yield
    }) : () -> ()
    "tpu.region"() ({
      %run_scoped3A_77 = tpu.sem_alloc : memref<!tpu.dma_semaphore, #tpu.memory_space<semaphore_mem>>
      %dma_start3A_78 = arith.constant 0 : i32
      %dma_start3A_79 = arith.constant 0 : i32
      %dma_start3A_80 = tpu.memref_slice %arg14[%dma_start3A_78, %dma_start3A_79] : memref<10240x128xf32, #tpu.memory_space<vmem_shared>> -> memref<10240x128xf32, #tpu.memory_space<vmem_shared>>
      tpu.enqueue_indirect_dma source(%arg12 : memref<128x128xf32, #tpu.memory_space<vmem>>) target(%dma_start3A_80 : memref<10240x128xf32, #tpu.memory_space<vmem_shared>>) offsets(%arg10 : memref<128xi32, #tpu.memory_space<vmem>>) semaphore(%run_scoped3A_77 : memref<!tpu.dma_semaphore, #tpu.memory_space<semaphore_mem>>)
      %dma_wait3A_81 = arith.constant 0 : i32
      %dma_wait3A_82 = arith.constant 0 : i32
      %dma_wait3A_83 = tpu.memref_slice %arg14[%dma_wait3A_81, %dma_wait3A_82] : memref<10240x128xf32, #tpu.memory_space<vmem_shared>> -> memref<10240x128xf32, #tpu.memory_space<vmem_shared>>
      tpu.wait_indirect_dma semaphore(%run_scoped3A_77 : memref<!tpu.dma_semaphore, #tpu.memory_space<semaphore_mem>>) src(%arg12 : memref<128x128xf32, #tpu.memory_space<vmem>>) dst(%dma_wait3A_83 : memref<10240x128xf32, #tpu.memory_space<vmem_shared>>)
      tpu.yield
    }) : () -> ()
    "tpu.region"() ({
      %run_scoped3A_77 = tpu.sem_alloc : memref<!tpu.dma_semaphore, #tpu.memory_space<semaphore_mem>>
      %dma_start3A_78 = arith.constant 0 : i32
      %dma_start3A_79 = tpu.memref_slice %arg17[%dma_start3A_78] : memref<10240xf32, #tpu.memory_space<vmem_shared>> -> memref<10240xf32, #tpu.memory_space<vmem_shared>>
      tpu.enqueue_indirect_dma source(%arg13 : memref<128xf32, #tpu.memory_space<vmem>>) target(%dma_start3A_79 : memref<10240xf32, #tpu.memory_space<vmem_shared>>) offsets(%arg10 : memref<128xi32, #tpu.memory_space<vmem>>) semaphore(%run_scoped3A_77 : memref<!tpu.dma_semaphore, #tpu.memory_space<semaphore_mem>>)
      %dma_wait3A_80 = arith.constant 0 : i32
      %dma_wait3A_81 = tpu.memref_slice %arg17[%dma_wait3A_80] : memref<10240xf32, #tpu.memory_space<vmem_shared>> -> memref<10240xf32, #tpu.memory_space<vmem_shared>>
      tpu.wait_indirect_dma semaphore(%run_scoped3A_77 : memref<!tpu.dma_semaphore, #tpu.memory_space<semaphore_mem>>) src(%arg13 : memref<128xf32, #tpu.memory_space<vmem>>) dst(%dma_wait3A_81 : memref<10240xf32, #tpu.memory_space<vmem_shared>>)
      tpu.yield
    }) : () -> ()
    "tpu.region"() ({
      %run_scoped3A_77 = tpu.sem_alloc : memref<!tpu.dma_semaphore, #tpu.memory_space<semaphore_mem>>
      tpu.enqueue_dma source(%arg6 : memref<128xf32, #tpu.memory_space<hbm>>) target(%arg13 : memref<128xf32, #tpu.memory_space<vmem>>) target_semaphore(%run_scoped3A_77 : memref<!tpu.dma_semaphore, #tpu.memory_space<semaphore_mem>>)
      tpu.wait_dma2 semaphore(%run_scoped3A_77 : memref<!tpu.dma_semaphore, #tpu.memory_space<semaphore_mem>>) src(%arg6 : memref<128xf32, #tpu.memory_space<hbm>>) dst(%arg13 : memref<128xf32, #tpu.memory_space<vmem>>)
      tpu.yield
    }) : () -> ()
    %barrier3A = arith.constant 0 : index
    tpu.barrier barrier_id(%barrier3A)
    %scan3A = arith.constant 0 : i32
    %scan3A_13 = arith.constant 0 : i32
    %scan3A_14 = arith.constant 79 : i32
    %scan3A_15 = arith.addi %scan3A_13, %scan3A_14 : i32
    %scan3A_16 = arith.constant 1 : i32
    scf.for %scan3A_77 = %scan3A_13 to %scan3A_15 step %scan3A_16  : i32 {
      %mul3A_78 = arith.constant 79 : i32
      %mul3A_79 = arith.muli %add3A, %mul3A_78 : i32
      %add3A_80 = arith.addi %mul3A_79, %scan3A_77 : i32
      %mul3A_81 = arith.constant 128 : i32
      %mul3A_82 = arith.muli %add3A_80, %mul3A_81 : i32
      %dma_start3A_83 = tpu.memref_slice %arg4[%mul3A_82] : memref<323584xi32, #tpu.memory_space<hbm>> -> memref<128xi32, #tpu.memory_space<hbm>>
      %dma_start3A_84 = tpu.memref_slice %arg4[%mul3A_82] : memref<323584xi32, #tpu.memory_space<hbm>> -> memref<128xi32, #tpu.memory_space<hbm>>
      tpu.enqueue_dma source(%dma_start3A_84 : memref<128xi32, #tpu.memory_space<hbm>>) target(%arg11 : memref<128xi32, #tpu.memory_space<vmem>>) target_semaphore(%arg16 : memref<!tpu.dma_semaphore, #tpu.memory_space<semaphore_mem>>)
      "tpu.region"() ({
        %run_scoped3A_97 = tpu.sem_alloc : memref<!tpu.dma_semaphore, #tpu.memory_space<semaphore_mem>>
        %dma_start3A_98 = tpu.memref_slice %arg3[%mul3A_82] : memref<323584xi32, #tpu.memory_space<hbm>> -> memref<128xi32, #tpu.memory_space<hbm>>
        %dma_start3A_99 = tpu.memref_slice %arg3[%mul3A_82] : memref<323584xi32, #tpu.memory_space<hbm>> -> memref<128xi32, #tpu.memory_space<hbm>>
        tpu.enqueue_dma source(%dma_start3A_99 : memref<128xi32, #tpu.memory_space<hbm>>) target(%arg10 : memref<128xi32, #tpu.memory_space<vmem>>) target_semaphore(%run_scoped3A_97 : memref<!tpu.dma_semaphore, #tpu.memory_space<semaphore_mem>>)
        %dma_wait3A_100 = tpu.memref_slice %arg3[%mul3A_82] : memref<323584xi32, #tpu.memory_space<hbm>> -> memref<128xi32, #tpu.memory_space<hbm>>
        %dma_wait3A_101 = tpu.memref_slice %arg3[%mul3A_82] : memref<323584xi32, #tpu.memory_space<hbm>> -> memref<128xi32, #tpu.memory_space<hbm>>
        tpu.wait_dma2 semaphore(%run_scoped3A_97 : memref<!tpu.dma_semaphore, #tpu.memory_space<semaphore_mem>>) src(%dma_wait3A_101 : memref<128xi32, #tpu.memory_space<hbm>>) dst(%arg10 : memref<128xi32, #tpu.memory_space<vmem>>)
        tpu.yield
      }) : () -> ()
      %dma_start3A_85 = arith.constant 0 : i32
      %dma_start3A_86 = arith.constant 0 : i32
      %dma_start3A_87 = tpu.memref_slice %arg2[%dma_start3A_85, %dma_start3A_86] : memref<10240x128xf32, #tpu.memory_space<hbm>> -> memref<10240x128xf32, #tpu.memory_space<hbm>>
      tpu.enqueue_indirect_dma source(%dma_start3A_87 : memref<10240x128xf32, #tpu.memory_space<hbm>>) target(%arg12 : memref<128x128xf32, #tpu.memory_space<vmem>>) offsets(%arg10 : memref<128xi32, #tpu.memory_space<vmem>>) semaphore(%arg15 : memref<!tpu.dma_semaphore, #tpu.memory_space<semaphore_mem>>)
      %dma_wait3A_88 = arith.constant 0 : i32
      %dma_wait3A_89 = arith.constant 0 : i32
      %dma_wait3A_90 = tpu.memref_slice %arg2[%dma_wait3A_88, %dma_wait3A_89] : memref<10240x128xf32, #tpu.memory_space<hbm>> -> memref<10240x128xf32, #tpu.memory_space<hbm>>
      tpu.wait_indirect_dma semaphore(%arg15 : memref<!tpu.dma_semaphore, #tpu.memory_space<semaphore_mem>>) src(%dma_wait3A_90 : memref<10240x128xf32, #tpu.memory_space<hbm>>) dst(%arg12 : memref<128x128xf32, #tpu.memory_space<vmem>>)
      %dma_wait3A_91 = tpu.memref_slice %arg4[%mul3A_82] : memref<323584xi32, #tpu.memory_space<hbm>> -> memref<128xi32, #tpu.memory_space<hbm>>
      %dma_wait3A_92 = tpu.memref_slice %arg4[%mul3A_82] : memref<323584xi32, #tpu.memory_space<hbm>> -> memref<128xi32, #tpu.memory_space<hbm>>
      tpu.wait_dma2 semaphore(%arg16 : memref<!tpu.dma_semaphore, #tpu.memory_space<semaphore_mem>>) src(%dma_wait3A_92 : memref<128xi32, #tpu.memory_space<hbm>>) dst(%arg11 : memref<128xi32, #tpu.memory_space<vmem>>)
      %dma_start3A_93 = arith.constant 0 : i32
      %dma_start3A_94 = tpu.memref_slice %arg17[%dma_start3A_93] : memref<10240xf32, #tpu.memory_space<vmem_shared>> -> memref<10240xf32, #tpu.memory_space<vmem_shared>>
      tpu.enqueue_indirect_dma source(%arg13 : memref<128xf32, #tpu.memory_space<vmem>>) target(%dma_start3A_94 : memref<10240xf32, #tpu.memory_space<vmem_shared>>) offsets(%arg11 : memref<128xi32, #tpu.memory_space<vmem>>) semaphore(%arg16 : memref<!tpu.dma_semaphore, #tpu.memory_space<semaphore_mem>>) {add = true}
      "tpu.region"() ({
        %run_scoped3A_97 = tpu.sem_alloc : memref<!tpu.dma_semaphore, #tpu.memory_space<semaphore_mem>>
        %dma_start3A_98 = arith.constant 0 : i32
        %dma_start3A_99 = arith.constant 0 : i32
        %dma_start3A_100 = tpu.memref_slice %arg14[%dma_start3A_98, %dma_start3A_99] : memref<10240x128xf32, #tpu.memory_space<vmem_shared>> -> memref<10240x128xf32, #tpu.memory_space<vmem_shared>>
        tpu.enqueue_indirect_dma source(%arg12 : memref<128x128xf32, #tpu.memory_space<vmem>>) target(%dma_start3A_100 : memref<10240x128xf32, #tpu.memory_space<vmem_shared>>) offsets(%arg11 : memref<128xi32, #tpu.memory_space<vmem>>) semaphore(%run_scoped3A_97 : memref<!tpu.dma_semaphore, #tpu.memory_space<semaphore_mem>>) {add = true}
        %dma_wait3A_101 = arith.constant 0 : i32
        %dma_wait3A_102 = arith.constant 0 : i32
        %dma_wait3A_103 = tpu.memref_slice %arg14[%dma_wait3A_101, %dma_wait3A_102] : memref<10240x128xf32, #tpu.memory_space<vmem_shared>> -> memref<10240x128xf32, #tpu.memory_space<vmem_shared>>
        tpu.wait_indirect_dma semaphore(%run_scoped3A_97 : memref<!tpu.dma_semaphore, #tpu.memory_space<semaphore_mem>>) src(%arg12 : memref<128x128xf32, #tpu.memory_space<vmem>>) dst(%dma_wait3A_103 : memref<10240x128xf32, #tpu.memory_space<vmem_shared>>)
        tpu.yield
      }) : () -> ()
      %dma_wait3A_95 = arith.constant 0 : i32
      %dma_wait3A_96 = tpu.memref_slice %arg17[%dma_wait3A_95] : memref<10240xf32, #tpu.memory_space<vmem_shared>> -> memref<10240xf32, #tpu.memory_space<vmem_shared>>
      tpu.wait_indirect_dma semaphore(%arg16 : memref<!tpu.dma_semaphore, #tpu.memory_space<semaphore_mem>>) src(%arg13 : memref<128xf32, #tpu.memory_space<vmem>>) dst(%dma_wait3A_96 : memref<10240xf32, #tpu.memory_space<vmem_shared>>)
    }
    %scan3A_17 = arith.constant 79 : i32
    %barrier3A_18 = arith.constant 0 : index
    tpu.barrier barrier_id(%barrier3A_18)
    %add3A_19 = arith.constant 0 : i32
    %add3A_20 = arith.addi %mul3A_2, %add3A_19 : i32
    "tpu.region"() ({
      %run_scoped3A_77 = tpu.sem_alloc : memref<!tpu.dma_semaphore, #tpu.memory_space<semaphore_mem>>
      %dma_start3A_78 = tpu.memref_slice %arg7[%add3A_20] : memref<10240xi32, #tpu.memory_space<hbm>> -> memref<128xi32, #tpu.memory_space<hbm>>
      %dma_start3A_79 = tpu.memref_slice %arg7[%add3A_20] : memref<10240xi32, #tpu.memory_space<hbm>> -> memref<128xi32, #tpu.memory_space<hbm>>
      tpu.enqueue_dma source(%dma_start3A_79 : memref<128xi32, #tpu.memory_space<hbm>>) target(%arg10 : memref<128xi32, #tpu.memory_space<vmem>>) target_semaphore(%run_scoped3A_77 : memref<!tpu.dma_semaphore, #tpu.memory_space<semaphore_mem>>)
      %dma_wait3A_80 = tpu.memref_slice %arg7[%add3A_20] : memref<10240xi32, #tpu.memory_space<hbm>> -> memref<128xi32, #tpu.memory_space<hbm>>
      %dma_wait3A_81 = tpu.memref_slice %arg7[%add3A_20] : memref<10240xi32, #tpu.memory_space<hbm>> -> memref<128xi32, #tpu.memory_space<hbm>>
      tpu.wait_dma2 semaphore(%run_scoped3A_77 : memref<!tpu.dma_semaphore, #tpu.memory_space<semaphore_mem>>) src(%dma_wait3A_81 : memref<128xi32, #tpu.memory_space<hbm>>) dst(%arg10 : memref<128xi32, #tpu.memory_space<vmem>>)
      tpu.yield
    }) : () -> ()
    %dma_start3A = arith.constant 0 : i32
    %dma_start3A_21 = arith.constant 0 : i32
    %dma_start3A_22 = tpu.memref_slice %arg14[%dma_start3A, %dma_start3A_21] : memref<10240x128xf32, #tpu.memory_space<vmem_shared>> -> memref<10240x128xf32, #tpu.memory_space<vmem_shared>>
    tpu.enqueue_indirect_dma source(%dma_start3A_22 : memref<10240x128xf32, #tpu.memory_space<vmem_shared>>) target(%arg12 : memref<128x128xf32, #tpu.memory_space<vmem>>) offsets(%arg10 : memref<128xi32, #tpu.memory_space<vmem>>) semaphore(%arg15 : memref<!tpu.dma_semaphore, #tpu.memory_space<semaphore_mem>>)
    %dma_wait3A = arith.constant 0 : i32
    %dma_wait3A_23 = arith.constant 0 : i32
    %dma_wait3A_24 = tpu.memref_slice %arg14[%dma_wait3A, %dma_wait3A_23] : memref<10240x128xf32, #tpu.memory_space<vmem_shared>> -> memref<10240x128xf32, #tpu.memory_space<vmem_shared>>
    tpu.wait_indirect_dma semaphore(%arg15 : memref<!tpu.dma_semaphore, #tpu.memory_space<semaphore_mem>>) src(%dma_wait3A_24 : memref<10240x128xf32, #tpu.memory_space<vmem_shared>>) dst(%arg12 : memref<128x128xf32, #tpu.memory_space<vmem>>)
    "tpu.region"() ({
      %run_scoped3A_77 = tpu.sem_alloc : memref<!tpu.dma_semaphore, #tpu.memory_space<semaphore_mem>>
      %dma_start3A_78 = arith.constant 0 : i32
      %dma_start3A_79 = tpu.memref_slice %arg8[%arg0, %add3A_20, %dma_start3A_78] : memref<2x10240x128xf32, #tpu.memory_space<hbm>> -> memref<1x128x128xf32, #tpu.memory_space<hbm>>
      %dma_start3A_80 = tpu.memref_squeeze %dma_start3A_79 : memref<1x128x128xf32, #tpu.memory_space<hbm>> -> memref<128x128xf32, #tpu.memory_space<hbm>>
      %dma_start3A_81 = arith.constant 0 : i32
      %dma_start3A_82 = tpu.memref_slice %arg8[%arg0, %add3A_20, %dma_start3A_81] : memref<2x10240x128xf32, #tpu.memory_space<hbm>> -> memref<1x128x128xf32, #tpu.memory_space<hbm>>
      %dma_start3A_83 = tpu.memref_squeeze %dma_start3A_82 : memref<1x128x128xf32, #tpu.memory_space<hbm>> -> memref<128x128xf32, #tpu.memory_space<hbm>>
      tpu.enqueue_dma source(%arg12 : memref<128x128xf32, #tpu.memory_space<vmem>>) target(%dma_start3A_83 : memref<128x128xf32, #tpu.memory_space<hbm>>) target_semaphore(%run_scoped3A_77 : memref<!tpu.dma_semaphore, #tpu.memory_space<semaphore_mem>>)
      %dma_wait3A_84 = arith.constant 0 : i32
      %dma_wait3A_85 = tpu.memref_slice %arg8[%arg0, %add3A_20, %dma_wait3A_84] : memref<2x10240x128xf32, #tpu.memory_space<hbm>> -> memref<1x128x128xf32, #tpu.memory_space<hbm>>
      %dma_wait3A_86 = tpu.memref_squeeze %dma_wait3A_85 : memref<1x128x128xf32, #tpu.memory_space<hbm>> -> memref<128x128xf32, #tpu.memory_space<hbm>>
      %dma_wait3A_87 = arith.constant 0 : i32
      %dma_wait3A_88 = tpu.memref_slice %arg8[%arg0, %add3A_20, %dma_wait3A_87] : memref<2x10240x128xf32, #tpu.memory_space<hbm>> -> memref<1x128x128xf32, #tpu.memory_space<hbm>>
      %dma_wait3A_89 = tpu.memref_squeeze %dma_wait3A_88 : memref<1x128x128xf32, #tpu.memory_space<hbm>> -> memref<128x128xf32, #tpu.memory_space<hbm>>
      tpu.wait_dma2 semaphore(%run_scoped3A_77 : memref<!tpu.dma_semaphore, #tpu.memory_space<semaphore_mem>>) src(%arg12 : memref<128x128xf32, #tpu.memory_space<vmem>>) dst(%dma_wait3A_89 : memref<128x128xf32, #tpu.memory_space<hbm>>)
      tpu.yield
    }) : () -> ()
    %dma_start3A_25 = arith.constant 0 : i32
    %dma_start3A_26 = tpu.memref_slice %arg17[%dma_start3A_25] : memref<10240xf32, #tpu.memory_space<vmem_shared>> -> memref<10240xf32, #tpu.memory_space<vmem_shared>>
    tpu.enqueue_indirect_dma source(%dma_start3A_26 : memref<10240xf32, #tpu.memory_space<vmem_shared>>) target(%arg13 : memref<128xf32, #tpu.memory_space<vmem>>) offsets(%arg10 : memref<128xi32, #tpu.memory_space<vmem>>) semaphore(%arg15 : memref<!tpu.dma_semaphore, #tpu.memory_space<semaphore_mem>>)
    %dma_wait3A_27 = arith.constant 0 : i32
    %dma_wait3A_28 = tpu.memref_slice %arg17[%dma_wait3A_27] : memref<10240xf32, #tpu.memory_space<vmem_shared>> -> memref<10240xf32, #tpu.memory_space<vmem_shared>>
    tpu.wait_indirect_dma semaphore(%arg15 : memref<!tpu.dma_semaphore, #tpu.memory_space<semaphore_mem>>) src(%dma_wait3A_28 : memref<10240xf32, #tpu.memory_space<vmem_shared>>) dst(%arg13 : memref<128xf32, #tpu.memory_space<vmem>>)
    "tpu.region"() ({
      %run_scoped3A_77 = tpu.sem_alloc : memref<!tpu.dma_semaphore, #tpu.memory_space<semaphore_mem>>
      %dma_start3A_78 = tpu.memref_slice %arg9[%arg0, %add3A_20] : memref<2x10240xf32, #tpu.memory_space<hbm>> -> memref<1x128xf32, #tpu.memory_space<hbm>>
      %dma_start3A_79 = tpu.memref_squeeze %dma_start3A_78 : memref<1x128xf32, #tpu.memory_space<hbm>> -> memref<128xf32, #tpu.memory_space<hbm>>
      %dma_start3A_80 = tpu.memref_slice %arg9[%arg0, %add3A_20] : memref<2x10240xf32, #tpu.memory_space<hbm>> -> memref<1x128xf32, #tpu.memory_space<hbm>>
      %dma_start3A_81 = tpu.memref_squeeze %dma_start3A_80 : memref<1x128xf32, #tpu.memory_space<hbm>> -> memref<128xf32, #tpu.memory_space<hbm>>
      tpu.enqueue_dma source(%arg13 : memref<128xf32, #tpu.memory_space<vmem>>) target(%dma_start3A_81 : memref<128xf32, #tpu.memory_space<hbm>>) target_semaphore(%run_scoped3A_77 : memref<!tpu.dma_semaphore, #tpu.memory_space<semaphore_mem>>)
      %dma_wait3A_82 = tpu.memref_slice %arg9[%arg0, %add3A_20] : memref<2x10240xf32, #tpu.memory_space<hbm>> -> memref<1x128xf32, #tpu.memory_space<hbm>>
      %dma_wait3A_83 = tpu.memref_squeeze %dma_wait3A_82 : memref<1x128xf32, #tpu.memory_space<hbm>> -> memref<128xf32, #tpu.memory_space<hbm>>
      %dma_wait3A_84 = tpu.memref_slice %arg9[%arg0, %add3A_20] : memref<2x10240xf32, #tpu.memory_space<hbm>> -> memref<1x128xf32, #tpu.memory_space<hbm>>
      %dma_wait3A_85 = tpu.memref_squeeze %dma_wait3A_84 : memref<1x128xf32, #tpu.memory_space<hbm>> -> memref<128xf32, #tpu.memory_space<hbm>>
      tpu.wait_dma2 semaphore(%run_scoped3A_77 : memref<!tpu.dma_semaphore, #tpu.memory_space<semaphore_mem>>) src(%arg13 : memref<128xf32, #tpu.memory_space<vmem>>) dst(%dma_wait3A_85 : memref<128xf32, #tpu.memory_space<hbm>>)
      tpu.yield
    }) : () -> ()
    %add3A_29 = arith.constant 128 : i32
    %add3A_30 = arith.addi %mul3A_2, %add3A_29 : i32
    "tpu.region"() ({
      %run_scoped3A_77 = tpu.sem_alloc : memref<!tpu.dma_semaphore, #tpu.memory_space<semaphore_mem>>
      %dma_start3A_78 = tpu.memref_slice %arg7[%add3A_30] : memref<10240xi32, #tpu.memory_space<hbm>> -> memref<128xi32, #tpu.memory_space<hbm>>
      %dma_start3A_79 = tpu.memref_slice %arg7[%add3A_30] : memref<10240xi32, #tpu.memory_space<hbm>> -> memref<128xi32, #tpu.memory_space<hbm>>
      tpu.enqueue_dma source(%dma_start3A_79 : memref<128xi32, #tpu.memory_space<hbm>>) target(%arg10 : memref<128xi32, #tpu.memory_space<vmem>>) target_semaphore(%run_scoped3A_77 : memref<!tpu.dma_semaphore, #tpu.memory_space<semaphore_mem>>)
      %dma_wait3A_80 = tpu.memref_slice %arg7[%add3A_30] : memref<10240xi32, #tpu.memory_space<hbm>> -> memref<128xi32, #tpu.memory_space<hbm>>
      %dma_wait3A_81 = tpu.memref_slice %arg7[%add3A_30] : memref<10240xi32, #tpu.memory_space<hbm>> -> memref<128xi32, #tpu.memory_space<hbm>>
      tpu.wait_dma2 semaphore(%run_scoped3A_77 : memref<!tpu.dma_semaphore, #tpu.memory_space<semaphore_mem>>) src(%dma_wait3A_81 : memref<128xi32, #tpu.memory_space<hbm>>) dst(%arg10 : memref<128xi32, #tpu.memory_space<vmem>>)
      tpu.yield
    }) : () -> ()
    %dma_start3A_31 = arith.constant 0 : i32
    %dma_start3A_32 = arith.constant 0 : i32
    %dma_start3A_33 = tpu.memref_slice %arg14[%dma_start3A_31, %dma_start3A_32] : memref<10240x128xf32, #tpu.memory_space<vmem_shared>> -> memref<10240x128xf32, #tpu.memory_space<vmem_shared>>
    tpu.enqueue_indirect_dma source(%dma_start3A_33 : memref<10240x128xf32, #tpu.memory_space<vmem_shared>>) target(%arg12 : memref<128x128xf32, #tpu.memory_space<vmem>>) offsets(%arg10 : memref<128xi32, #tpu.memory_space<vmem>>) semaphore(%arg15 : memref<!tpu.dma_semaphore, #tpu.memory_space<semaphore_mem>>)
    %dma_wait3A_34 = arith.constant 0 : i32
    %dma_wait3A_35 = arith.constant 0 : i32
    %dma_wait3A_36 = tpu.memref_slice %arg14[%dma_wait3A_34, %dma_wait3A_35] : memref<10240x128xf32, #tpu.memory_space<vmem_shared>> -> memref<10240x128xf32, #tpu.memory_space<vmem_shared>>
    tpu.wait_indirect_dma semaphore(%arg15 : memref<!tpu.dma_semaphore, #tpu.memory_space<semaphore_mem>>) src(%dma_wait3A_36 : memref<10240x128xf32, #tpu.memory_space<vmem_shared>>) dst(%arg12 : memref<128x128xf32, #tpu.memory_space<vmem>>)
    "tpu.region"() ({
      %run_scoped3A_77 = tpu.sem_alloc : memref<!tpu.dma_semaphore, #tpu.memory_space<semaphore_mem>>
      %dma_start3A_78 = arith.constant 0 : i32
      %dma_start3A_79 = tpu.memref_slice %arg8[%arg0, %add3A_30, %dma_start3A_78] : memref<2x10240x128xf32, #tpu.memory_space<hbm>> -> memref<1x128x128xf32, #tpu.memory_space<hbm>>
      %dma_start3A_80 = tpu.memref_squeeze %dma_start3A_79 : memref<1x128x128xf32, #tpu.memory_space<hbm>> -> memref<128x128xf32, #tpu.memory_space<hbm>>
      %dma_start3A_81 = arith.constant 0 : i32
      %dma_start3A_82 = tpu.memref_slice %arg8[%arg0, %add3A_30, %dma_start3A_81] : memref<2x10240x128xf32, #tpu.memory_space<hbm>> -> memref<1x128x128xf32, #tpu.memory_space<hbm>>
      %dma_start3A_83 = tpu.memref_squeeze %dma_start3A_82 : memref<1x128x128xf32, #tpu.memory_space<hbm>> -> memref<128x128xf32, #tpu.memory_space<hbm>>
      tpu.enqueue_dma source(%arg12 : memref<128x128xf32, #tpu.memory_space<vmem>>) target(%dma_start3A_83 : memref<128x128xf32, #tpu.memory_space<hbm>>) target_semaphore(%run_scoped3A_77 : memref<!tpu.dma_semaphore, #tpu.memory_space<semaphore_mem>>)
      %dma_wait3A_84 = arith.constant 0 : i32
      %dma_wait3A_85 = tpu.memref_slice %arg8[%arg0, %add3A_30, %dma_wait3A_84] : memref<2x10240x128xf32, #tpu.memory_space<hbm>> -> memref<1x128x128xf32, #tpu.memory_space<hbm>>
      %dma_wait3A_86 = tpu.memref_squeeze %dma_wait3A_85 : memref<1x128x128xf32, #tpu.memory_space<hbm>> -> memref<128x128xf32, #tpu.memory_space<hbm>>
      %dma_wait3A_87 = arith.constant 0 : i32
      %dma_wait3A_88 = tpu.memref_slice %arg8[%arg0, %add3A_30, %dma_wait3A_87] : memref<2x10240x128xf32, #tpu.memory_space<hbm>> -> memref<1x128x128xf32, #tpu.memory_space<hbm>>
      %dma_wait3A_89 = tpu.memref_squeeze %dma_wait3A_88 : memref<1x128x128xf32, #tpu.memory_space<hbm>> -> memref<128x128xf32, #tpu.memory_space<hbm>>
      tpu.wait_dma2 semaphore(%run_scoped3A_77 : memref<!tpu.dma_semaphore, #tpu.memory_space<semaphore_mem>>) src(%arg12 : memref<128x128xf32, #tpu.memory_space<vmem>>) dst(%dma_wait3A_89 : memref<128x128xf32, #tpu.memory_space<hbm>>)
      tpu.yield
    }) : () -> ()
    %dma_start3A_37 = arith.constant 0 : i32
    %dma_start3A_38 = tpu.memref_slice %arg17[%dma_start3A_37] : memref<10240xf32, #tpu.memory_space<vmem_shared>> -> memref<10240xf32, #tpu.memory_space<vmem_shared>>
    tpu.enqueue_indirect_dma source(%dma_start3A_38 : memref<10240xf32, #tpu.memory_space<vmem_shared>>) target(%arg13 : memref<128xf32, #tpu.memory_space<vmem>>) offsets(%arg10 : memref<128xi32, #tpu.memory_space<vmem>>) semaphore(%arg15 : memref<!tpu.dma_semaphore, #tpu.memory_space<semaphore_mem>>)
    %dma_wait3A_39 = arith.constant 0 : i32
    %dma_wait3A_40 = tpu.memref_slice %arg17[%dma_wait3A_39] : memref<10240xf32, #tpu.memory_space<vmem_shared>> -> memref<10240xf32, #tpu.memory_space<vmem_shared>>
    tpu.wait_indirect_dma semaphore(%arg15 : memref<!tpu.dma_semaphore, #tpu.memory_space<semaphore_mem>>) src(%dma_wait3A_40 : memref<10240xf32, #tpu.memory_space<vmem_shared>>) dst(%arg13 : memref<128xf32, #tpu.memory_space<vmem>>)
    "tpu.region"() ({
      %run_scoped3A_77 = tpu.sem_alloc : memref<!tpu.dma_semaphore, #tpu.memory_space<semaphore_mem>>
      %dma_start3A_78 = tpu.memref_slice %arg9[%arg0, %add3A_30] : memref<2x10240xf32, #tpu.memory_space<hbm>> -> memref<1x128xf32, #tpu.memory_space<hbm>>
      %dma_start3A_79 = tpu.memref_squeeze %dma_start3A_78 : memref<1x128xf32, #tpu.memory_space<hbm>> -> memref<128xf32, #tpu.memory_space<hbm>>
      %dma_start3A_80 = tpu.memref_slice %arg9[%arg0, %add3A_30] : memref<2x10240xf32, #tpu.memory_space<hbm>> -> memref<1x128xf32, #tpu.memory_space<hbm>>
      %dma_start3A_81 = tpu.memref_squeeze %dma_start3A_80 : memref<1x128xf32, #tpu.memory_space<hbm>> -> memref<128xf32, #tpu.memory_space<hbm>>
      tpu.enqueue_dma source(%arg13 : memref<128xf32, #tpu.memory_space<vmem>>) target(%dma_start3A_81 : memref<128xf32, #tpu.memory_space<hbm>>) target_semaphore(%run_scoped3A_77 : memref<!tpu.dma_semaphore, #tpu.memory_space<semaphore_mem>>)
      %dma_wait3A_82 = tpu.memref_slice %arg9[%arg0, %add3A_30] : memref<2x10240xf32, #tpu.memory_space<hbm>> -> memref<1x128xf32, #tpu.memory_space<hbm>>
      %dma_wait3A_83 = tpu.memref_squeeze %dma_wait3A_82 : memref<1x128xf32, #tpu.memory_space<hbm>> -> memref<128xf32, #tpu.memory_space<hbm>>
      %dma_wait3A_84 = tpu.memref_slice %arg9[%arg0, %add3A_30] : memref<2x10240xf32, #tpu.memory_space<hbm>> -> memref<1x128xf32, #tpu.memory_space<hbm>>
      %dma_wait3A_85 = tpu.memref_squeeze %dma_wait3A_84 : memref<1x128xf32, #tpu.memory_space<hbm>> -> memref<128xf32, #tpu.memory_space<hbm>>
      tpu.wait_dma2 semaphore(%run_scoped3A_77 : memref<!tpu.dma_semaphore, #tpu.memory_space<semaphore_mem>>) src(%arg13 : memref<128xf32, #tpu.memory_space<vmem>>) dst(%dma_wait3A_85 : memref<128xf32, #tpu.memory_space<hbm>>)
      tpu.yield
    }) : () -> ()
    %add3A_41 = arith.constant 256 : i32
    %add3A_42 = arith.addi %mul3A_2, %add3A_41 : i32
    "tpu.region"() ({
      %run_scoped3A_77 = tpu.sem_alloc : memref<!tpu.dma_semaphore, #tpu.memory_space<semaphore_mem>>
      %dma_start3A_78 = tpu.memref_slice %arg7[%add3A_42] : memref<10240xi32, #tpu.memory_space<hbm>> -> memref<128xi32, #tpu.memory_space<hbm>>
      %dma_start3A_79 = tpu.memref_slice %arg7[%add3A_42] : memref<10240xi32, #tpu.memory_space<hbm>> -> memref<128xi32, #tpu.memory_space<hbm>>
      tpu.enqueue_dma source(%dma_start3A_79 : memref<128xi32, #tpu.memory_space<hbm>>) target(%arg10 : memref<128xi32, #tpu.memory_space<vmem>>) target_semaphore(%run_scoped3A_77 : memref<!tpu.dma_semaphore, #tpu.memory_space<semaphore_mem>>)
      %dma_wait3A_80 = tpu.memref_slice %arg7[%add3A_42] : memref<10240xi32, #tpu.memory_space<hbm>> -> memref<128xi32, #tpu.memory_space<hbm>>
      %dma_wait3A_81 = tpu.memref_slice %arg7[%add3A_42] : memref<10240xi32, #tpu.memory_space<hbm>> -> memref<128xi32, #tpu.memory_space<hbm>>
      tpu.wait_dma2 semaphore(%run_scoped3A_77 : memref<!tpu.dma_semaphore, #tpu.memory_space<semaphore_mem>>) src(%dma_wait3A_81 : memref<128xi32, #tpu.memory_space<hbm>>) dst(%arg10 : memref<128xi32, #tpu.memory_space<vmem>>)
      tpu.yield
    }) : () -> ()
    %dma_start3A_43 = arith.constant 0 : i32
    %dma_start3A_44 = arith.constant 0 : i32
    %dma_start3A_45 = tpu.memref_slice %arg14[%dma_start3A_43, %dma_start3A_44] : memref<10240x128xf32, #tpu.memory_space<vmem_shared>> -> memref<10240x128xf32, #tpu.memory_space<vmem_shared>>
    tpu.enqueue_indirect_dma source(%dma_start3A_45 : memref<10240x128xf32, #tpu.memory_space<vmem_shared>>) target(%arg12 : memref<128x128xf32, #tpu.memory_space<vmem>>) offsets(%arg10 : memref<128xi32, #tpu.memory_space<vmem>>) semaphore(%arg15 : memref<!tpu.dma_semaphore, #tpu.memory_space<semaphore_mem>>)
    %dma_wait3A_46 = arith.constant 0 : i32
    %dma_wait3A_47 = arith.constant 0 : i32
    %dma_wait3A_48 = tpu.memref_slice %arg14[%dma_wait3A_46, %dma_wait3A_47] : memref<10240x128xf32, #tpu.memory_space<vmem_shared>> -> memref<10240x128xf32, #tpu.memory_space<vmem_shared>>
    tpu.wait_indirect_dma semaphore(%arg15 : memref<!tpu.dma_semaphore, #tpu.memory_space<semaphore_mem>>) src(%dma_wait3A_48 : memref<10240x128xf32, #tpu.memory_space<vmem_shared>>) dst(%arg12 : memref<128x128xf32, #tpu.memory_space<vmem>>)
    "tpu.region"() ({
      %run_scoped3A_77 = tpu.sem_alloc : memref<!tpu.dma_semaphore, #tpu.memory_space<semaphore_mem>>
      %dma_start3A_78 = arith.constant 0 : i32
      %dma_start3A_79 = tpu.memref_slice %arg8[%arg0, %add3A_42, %dma_start3A_78] : memref<2x10240x128xf32, #tpu.memory_space<hbm>> -> memref<1x128x128xf32, #tpu.memory_space<hbm>>
      %dma_start3A_80 = tpu.memref_squeeze %dma_start3A_79 : memref<1x128x128xf32, #tpu.memory_space<hbm>> -> memref<128x128xf32, #tpu.memory_space<hbm>>
      %dma_start3A_81 = arith.constant 0 : i32
      %dma_start3A_82 = tpu.memref_slice %arg8[%arg0, %add3A_42, %dma_start3A_81] : memref<2x10240x128xf32, #tpu.memory_space<hbm>> -> memref<1x128x128xf32, #tpu.memory_space<hbm>>
      %dma_start3A_83 = tpu.memref_squeeze %dma_start3A_82 : memref<1x128x128xf32, #tpu.memory_space<hbm>> -> memref<128x128xf32, #tpu.memory_space<hbm>>
      tpu.enqueue_dma source(%arg12 : memref<128x128xf32, #tpu.memory_space<vmem>>) target(%dma_start3A_83 : memref<128x128xf32, #tpu.memory_space<hbm>>) target_semaphore(%run_scoped3A_77 : memref<!tpu.dma_semaphore, #tpu.memory_space<semaphore_mem>>)
      %dma_wait3A_84 = arith.constant 0 : i32
      %dma_wait3A_85 = tpu.memref_slice %arg8[%arg0, %add3A_42, %dma_wait3A_84] : memref<2x10240x128xf32, #tpu.memory_space<hbm>> -> memref<1x128x128xf32, #tpu.memory_space<hbm>>
      %dma_wait3A_86 = tpu.memref_squeeze %dma_wait3A_85 : memref<1x128x128xf32, #tpu.memory_space<hbm>> -> memref<128x128xf32, #tpu.memory_space<hbm>>
      %dma_wait3A_87 = arith.constant 0 : i32
      %dma_wait3A_88 = tpu.memref_slice %arg8[%arg0, %add3A_42, %dma_wait3A_87] : memref<2x10240x128xf32, #tpu.memory_space<hbm>> -> memref<1x128x128xf32, #tpu.memory_space<hbm>>
      %dma_wait3A_89 = tpu.memref_squeeze %dma_wait3A_88 : memref<1x128x128xf32, #tpu.memory_space<hbm>> -> memref<128x128xf32, #tpu.memory_space<hbm>>
      tpu.wait_dma2 semaphore(%run_scoped3A_77 : memref<!tpu.dma_semaphore, #tpu.memory_space<semaphore_mem>>) src(%arg12 : memref<128x128xf32, #tpu.memory_space<vmem>>) dst(%dma_wait3A_89 : memref<128x128xf32, #tpu.memory_space<hbm>>)
      tpu.yield
    }) : () -> ()
    %dma_start3A_49 = arith.constant 0 : i32
    %dma_start3A_50 = tpu.memref_slice %arg17[%dma_start3A_49] : memref<10240xf32, #tpu.memory_space<vmem_shared>> -> memref<10240xf32, #tpu.memory_space<vmem_shared>>
    tpu.enqueue_indirect_dma source(%dma_start3A_50 : memref<10240xf32, #tpu.memory_space<vmem_shared>>) target(%arg13 : memref<128xf32, #tpu.memory_space<vmem>>) offsets(%arg10 : memref<128xi32, #tpu.memory_space<vmem>>) semaphore(%arg15 : memref<!tpu.dma_semaphore, #tpu.memory_space<semaphore_mem>>)
    %dma_wait3A_51 = arith.constant 0 : i32
    %dma_wait3A_52 = tpu.memref_slice %arg17[%dma_wait3A_51] : memref<10240xf32, #tpu.memory_space<vmem_shared>> -> memref<10240xf32, #tpu.memory_space<vmem_shared>>
    tpu.wait_indirect_dma semaphore(%arg15 : memref<!tpu.dma_semaphore, #tpu.memory_space<semaphore_mem>>) src(%dma_wait3A_52 : memref<10240xf32, #tpu.memory_space<vmem_shared>>) dst(%arg13 : memref<128xf32, #tpu.memory_space<vmem>>)
    "tpu.region"() ({
      %run_scoped3A_77 = tpu.sem_alloc : memref<!tpu.dma_semaphore, #tpu.memory_space<semaphore_mem>>
      %dma_start3A_78 = tpu.memref_slice %arg9[%arg0, %add3A_42] : memref<2x10240xf32, #tpu.memory_space<hbm>> -> memref<1x128xf32, #tpu.memory_space<hbm>>
      %dma_start3A_79 = tpu.memref_squeeze %dma_start3A_78 : memref<1x128xf32, #tpu.memory_space<hbm>> -> memref<128xf32, #tpu.memory_space<hbm>>
      %dma_start3A_80 = tpu.memref_slice %arg9[%arg0, %add3A_42] : memref<2x10240xf32, #tpu.memory_space<hbm>> -> memref<1x128xf32, #tpu.memory_space<hbm>>
      %dma_start3A_81 = tpu.memref_squeeze %dma_start3A_80 : memref<1x128xf32, #tpu.memory_space<hbm>> -> memref<128xf32, #tpu.memory_space<hbm>>
      tpu.enqueue_dma source(%arg13 : memref<128xf32, #tpu.memory_space<vmem>>) target(%dma_start3A_81 : memref<128xf32, #tpu.memory_space<hbm>>) target_semaphore(%run_scoped3A_77 : memref<!tpu.dma_semaphore, #tpu.memory_space<semaphore_mem>>)
      %dma_wait3A_82 = tpu.memref_slice %arg9[%arg0, %add3A_42] : memref<2x10240xf32, #tpu.memory_space<hbm>> -> memref<1x128xf32, #tpu.memory_space<hbm>>
      %dma_wait3A_83 = tpu.memref_squeeze %dma_wait3A_82 : memref<1x128xf32, #tpu.memory_space<hbm>> -> memref<128xf32, #tpu.memory_space<hbm>>
      %dma_wait3A_84 = tpu.memref_slice %arg9[%arg0, %add3A_42] : memref<2x10240xf32, #tpu.memory_space<hbm>> -> memref<1x128xf32, #tpu.memory_space<hbm>>
      %dma_wait3A_85 = tpu.memref_squeeze %dma_wait3A_84 : memref<1x128xf32, #tpu.memory_space<hbm>> -> memref<128xf32, #tpu.memory_space<hbm>>
      tpu.wait_dma2 semaphore(%run_scoped3A_77 : memref<!tpu.dma_semaphore, #tpu.memory_space<semaphore_mem>>) src(%arg13 : memref<128xf32, #tpu.memory_space<vmem>>) dst(%dma_wait3A_85 : memref<128xf32, #tpu.memory_space<hbm>>)
      tpu.yield
    }) : () -> ()
    %add3A_53 = arith.constant 384 : i32
    %add3A_54 = arith.addi %mul3A_2, %add3A_53 : i32
    "tpu.region"() ({
      %run_scoped3A_77 = tpu.sem_alloc : memref<!tpu.dma_semaphore, #tpu.memory_space<semaphore_mem>>
      %dma_start3A_78 = tpu.memref_slice %arg7[%add3A_54] : memref<10240xi32, #tpu.memory_space<hbm>> -> memref<128xi32, #tpu.memory_space<hbm>>
      %dma_start3A_79 = tpu.memref_slice %arg7[%add3A_54] : memref<10240xi32, #tpu.memory_space<hbm>> -> memref<128xi32, #tpu.memory_space<hbm>>
      tpu.enqueue_dma source(%dma_start3A_79 : memref<128xi32, #tpu.memory_space<hbm>>) target(%arg10 : memref<128xi32, #tpu.memory_space<vmem>>) target_semaphore(%run_scoped3A_77 : memref<!tpu.dma_semaphore, #tpu.memory_space<semaphore_mem>>)
      %dma_wait3A_80 = tpu.memref_slice %arg7[%add3A_54] : memref<10240xi32, #tpu.memory_space<hbm>> -> memref<128xi32, #tpu.memory_space<hbm>>
      %dma_wait3A_81 = tpu.memref_slice %arg7[%add3A_54] : memref<10240xi32, #tpu.memory_space<hbm>> -> memref<128xi32, #tpu.memory_space<hbm>>
      tpu.wait_dma2 semaphore(%run_scoped3A_77 : memref<!tpu.dma_semaphore, #tpu.memory_space<semaphore_mem>>) src(%dma_wait3A_81 : memref<128xi32, #tpu.memory_space<hbm>>) dst(%arg10 : memref<128xi32, #tpu.memory_space<vmem>>)
      tpu.yield
    }) : () -> ()
    %dma_start3A_55 = arith.constant 0 : i32
    %dma_start3A_56 = arith.constant 0 : i32
    %dma_start3A_57 = tpu.memref_slice %arg14[%dma_start3A_55, %dma_start3A_56] : memref<10240x128xf32, #tpu.memory_space<vmem_shared>> -> memref<10240x128xf32, #tpu.memory_space<vmem_shared>>
    tpu.enqueue_indirect_dma source(%dma_start3A_57 : memref<10240x128xf32, #tpu.memory_space<vmem_shared>>) target(%arg12 : memref<128x128xf32, #tpu.memory_space<vmem>>) offsets(%arg10 : memref<128xi32, #tpu.memory_space<vmem>>) semaphore(%arg15 : memref<!tpu.dma_semaphore, #tpu.memory_space<semaphore_mem>>)
    %dma_wait3A_58 = arith.constant 0 : i32
    %dma_wait3A_59 = arith.constant 0 : i32
    %dma_wait3A_60 = tpu.memref_slice %arg14[%dma_wait3A_58, %dma_wait3A_59] : memref<10240x128xf32, #tpu.memory_space<vmem_shared>> -> memref<10240x128xf32, #tpu.memory_space<vmem_shared>>
    tpu.wait_indirect_dma semaphore(%arg15 : memref<!tpu.dma_semaphore, #tpu.memory_space<semaphore_mem>>) src(%dma_wait3A_60 : memref<10240x128xf32, #tpu.memory_space<vmem_shared>>) dst(%arg12 : memref<128x128xf32, #tpu.memory_space<vmem>>)
    "tpu.region"() ({
      %run_scoped3A_77 = tpu.sem_alloc : memref<!tpu.dma_semaphore, #tpu.memory_space<semaphore_mem>>
      %dma_start3A_78 = arith.constant 0 : i32
      %dma_start3A_79 = tpu.memref_slice %arg8[%arg0, %add3A_54, %dma_start3A_78] : memref<2x10240x128xf32, #tpu.memory_space<hbm>> -> memref<1x128x128xf32, #tpu.memory_space<hbm>>
      %dma_start3A_80 = tpu.memref_squeeze %dma_start3A_79 : memref<1x128x128xf32, #tpu.memory_space<hbm>> -> memref<128x128xf32, #tpu.memory_space<hbm>>
      %dma_start3A_81 = arith.constant 0 : i32
      %dma_start3A_82 = tpu.memref_slice %arg8[%arg0, %add3A_54, %dma_start3A_81] : memref<2x10240x128xf32, #tpu.memory_space<hbm>> -> memref<1x128x128xf32, #tpu.memory_space<hbm>>
      %dma_start3A_83 = tpu.memref_squeeze %dma_start3A_82 : memref<1x128x128xf32, #tpu.memory_space<hbm>> -> memref<128x128xf32, #tpu.memory_space<hbm>>
      tpu.enqueue_dma source(%arg12 : memref<128x128xf32, #tpu.memory_space<vmem>>) target(%dma_start3A_83 : memref<128x128xf32, #tpu.memory_space<hbm>>) target_semaphore(%run_scoped3A_77 : memref<!tpu.dma_semaphore, #tpu.memory_space<semaphore_mem>>)
      %dma_wait3A_84 = arith.constant 0 : i32
      %dma_wait3A_85 = tpu.memref_slice %arg8[%arg0, %add3A_54, %dma_wait3A_84] : memref<2x10240x128xf32, #tpu.memory_space<hbm>> -> memref<1x128x128xf32, #tpu.memory_space<hbm>>
      %dma_wait3A_86 = tpu.memref_squeeze %dma_wait3A_85 : memref<1x128x128xf32, #tpu.memory_space<hbm>> -> memref<128x128xf32, #tpu.memory_space<hbm>>
      %dma_wait3A_87 = arith.constant 0 : i32
      %dma_wait3A_88 = tpu.memref_slice %arg8[%arg0, %add3A_54, %dma_wait3A_87] : memref<2x10240x128xf32, #tpu.memory_space<hbm>> -> memref<1x128x128xf32, #tpu.memory_space<hbm>>
      %dma_wait3A_89 = tpu.memref_squeeze %dma_wait3A_88 : memref<1x128x128xf32, #tpu.memory_space<hbm>> -> memref<128x128xf32, #tpu.memory_space<hbm>>
      tpu.wait_dma2 semaphore(%run_scoped3A_77 : memref<!tpu.dma_semaphore, #tpu.memory_space<semaphore_mem>>) src(%arg12 : memref<128x128xf32, #tpu.memory_space<vmem>>) dst(%dma_wait3A_89 : memref<128x128xf32, #tpu.memory_space<hbm>>)
      tpu.yield
    }) : () -> ()
    %dma_start3A_61 = arith.constant 0 : i32
    %dma_start3A_62 = tpu.memref_slice %arg17[%dma_start3A_61] : memref<10240xf32, #tpu.memory_space<vmem_shared>> -> memref<10240xf32, #tpu.memory_space<vmem_shared>>
    tpu.enqueue_indirect_dma source(%dma_start3A_62 : memref<10240xf32, #tpu.memory_space<vmem_shared>>) target(%arg13 : memref<128xf32, #tpu.memory_space<vmem>>) offsets(%arg10 : memref<128xi32, #tpu.memory_space<vmem>>) semaphore(%arg15 : memref<!tpu.dma_semaphore, #tpu.memory_space<semaphore_mem>>)
    %dma_wait3A_63 = arith.constant 0 : i32
    %dma_wait3A_64 = tpu.memref_slice %arg17[%dma_wait3A_63] : memref<10240xf32, #tpu.memory_space<vmem_shared>> -> memref<10240xf32, #tpu.memory_space<vmem_shared>>
    tpu.wait_indirect_dma semaphore(%arg15 : memref<!tpu.dma_semaphore, #tpu.memory_space<semaphore_mem>>) src(%dma_wait3A_64 : memref<10240xf32, #tpu.memory_space<vmem_shared>>) dst(%arg13 : memref<128xf32, #tpu.memory_space<vmem>>)
    "tpu.region"() ({
      %run_scoped3A_77 = tpu.sem_alloc : memref<!tpu.dma_semaphore, #tpu.memory_space<semaphore_mem>>
      %dma_start3A_78 = tpu.memref_slice %arg9[%arg0, %add3A_54] : memref<2x10240xf32, #tpu.memory_space<hbm>> -> memref<1x128xf32, #tpu.memory_space<hbm>>
      %dma_start3A_79 = tpu.memref_squeeze %dma_start3A_78 : memref<1x128xf32, #tpu.memory_space<hbm>> -> memref<128xf32, #tpu.memory_space<hbm>>
      %dma_start3A_80 = tpu.memref_slice %arg9[%arg0, %add3A_54] : memref<2x10240xf32, #tpu.memory_space<hbm>> -> memref<1x128xf32, #tpu.memory_space<hbm>>
      %dma_start3A_81 = tpu.memref_squeeze %dma_start3A_80 : memref<1x128xf32, #tpu.memory_space<hbm>> -> memref<128xf32, #tpu.memory_space<hbm>>
      tpu.enqueue_dma source(%arg13 : memref<128xf32, #tpu.memory_space<vmem>>) target(%dma_start3A_81 : memref<128xf32, #tpu.memory_space<hbm>>) target_semaphore(%run_scoped3A_77 : memref<!tpu.dma_semaphore, #tpu.memory_space<semaphore_mem>>)
      %dma_wait3A_82 = tpu.memref_slice %arg9[%arg0, %add3A_54] : memref<2x10240xf32, #tpu.memory_space<hbm>> -> memref<1x128xf32, #tpu.memory_space<hbm>>
      %dma_wait3A_83 = tpu.memref_squeeze %dma_wait3A_82 : memref<1x128xf32, #tpu.memory_space<hbm>> -> memref<128xf32, #tpu.memory_space<hbm>>
      %dma_wait3A_84 = tpu.memref_slice %arg9[%arg0, %add3A_54] : memref<2x10240xf32, #tpu.memory_space<hbm>> -> memref<1x128xf32, #tpu.memory_space<hbm>>
      %dma_wait3A_85 = tpu.memref_squeeze %dma_wait3A_84 : memref<1x128xf32, #tpu.memory_space<hbm>> -> memref<128xf32, #tpu.memory_space<hbm>>
      tpu.wait_dma2 semaphore(%run_scoped3A_77 : memref<!tpu.dma_semaphore, #tpu.memory_space<semaphore_mem>>) src(%arg13 : memref<128xf32, #tpu.memory_space<vmem>>) dst(%dma_wait3A_85 : memref<128xf32, #tpu.memory_space<hbm>>)
      tpu.yield
    }) : () -> ()
    %add3A_65 = arith.constant 512 : i32
    %add3A_66 = arith.addi %mul3A_2, %add3A_65 : i32
    "tpu.region"() ({
      %run_scoped3A_77 = tpu.sem_alloc : memref<!tpu.dma_semaphore, #tpu.memory_space<semaphore_mem>>
      %dma_start3A_78 = tpu.memref_slice %arg7[%add3A_66] : memref<10240xi32, #tpu.memory_space<hbm>> -> memref<128xi32, #tpu.memory_space<hbm>>
      %dma_start3A_79 = tpu.memref_slice %arg7[%add3A_66] : memref<10240xi32, #tpu.memory_space<hbm>> -> memref<128xi32, #tpu.memory_space<hbm>>
      tpu.enqueue_dma source(%dma_start3A_79 : memref<128xi32, #tpu.memory_space<hbm>>) target(%arg10 : memref<128xi32, #tpu.memory_space<vmem>>) target_semaphore(%run_scoped3A_77 : memref<!tpu.dma_semaphore, #tpu.memory_space<semaphore_mem>>)
      %dma_wait3A_80 = tpu.memref_slice %arg7[%add3A_66] : memref<10240xi32, #tpu.memory_space<hbm>> -> memref<128xi32, #tpu.memory_space<hbm>>
      %dma_wait3A_81 = tpu.memref_slice %arg7[%add3A_66] : memref<10240xi32, #tpu.memory_space<hbm>> -> memref<128xi32, #tpu.memory_space<hbm>>
      tpu.wait_dma2 semaphore(%run_scoped3A_77 : memref<!tpu.dma_semaphore, #tpu.memory_space<semaphore_mem>>) src(%dma_wait3A_81 : memref<128xi32, #tpu.memory_space<hbm>>) dst(%arg10 : memref<128xi32, #tpu.memory_space<vmem>>)
      tpu.yield
    }) : () -> ()
    %dma_start3A_67 = arith.constant 0 : i32
    %dma_start3A_68 = arith.constant 0 : i32
    %dma_start3A_69 = tpu.memref_slice %arg14[%dma_start3A_67, %dma_start3A_68] : memref<10240x128xf32, #tpu.memory_space<vmem_shared>> -> memref<10240x128xf32, #tpu.memory_space<vmem_shared>>
    tpu.enqueue_indirect_dma source(%dma_start3A_69 : memref<10240x128xf32, #tpu.memory_space<vmem_shared>>) target(%arg12 : memref<128x128xf32, #tpu.memory_space<vmem>>) offsets(%arg10 : memref<128xi32, #tpu.memory_space<vmem>>) semaphore(%arg15 : memref<!tpu.dma_semaphore, #tpu.memory_space<semaphore_mem>>)
    %dma_wait3A_70 = arith.constant 0 : i32
    %dma_wait3A_71 = arith.constant 0 : i32
    %dma_wait3A_72 = tpu.memref_slice %arg14[%dma_wait3A_70, %dma_wait3A_71] : memref<10240x128xf32, #tpu.memory_space<vmem_shared>> -> memref<10240x128xf32, #tpu.memory_space<vmem_shared>>
    tpu.wait_indirect_dma semaphore(%arg15 : memref<!tpu.dma_semaphore, #tpu.memory_space<semaphore_mem>>) src(%dma_wait3A_72 : memref<10240x128xf32, #tpu.memory_space<vmem_shared>>) dst(%arg12 : memref<128x128xf32, #tpu.memory_space<vmem>>)
    "tpu.region"() ({
      %run_scoped3A_77 = tpu.sem_alloc : memref<!tpu.dma_semaphore, #tpu.memory_space<semaphore_mem>>
      %dma_start3A_78 = arith.constant 0 : i32
      %dma_start3A_79 = tpu.memref_slice %arg8[%arg0, %add3A_66, %dma_start3A_78] : memref<2x10240x128xf32, #tpu.memory_space<hbm>> -> memref<1x128x128xf32, #tpu.memory_space<hbm>>
      %dma_start3A_80 = tpu.memref_squeeze %dma_start3A_79 : memref<1x128x128xf32, #tpu.memory_space<hbm>> -> memref<128x128xf32, #tpu.memory_space<hbm>>
      %dma_start3A_81 = arith.constant 0 : i32
      %dma_start3A_82 = tpu.memref_slice %arg8[%arg0, %add3A_66, %dma_start3A_81] : memref<2x10240x128xf32, #tpu.memory_space<hbm>> -> memref<1x128x128xf32, #tpu.memory_space<hbm>>
      %dma_start3A_83 = tpu.memref_squeeze %dma_start3A_82 : memref<1x128x128xf32, #tpu.memory_space<hbm>> -> memref<128x128xf32, #tpu.memory_space<hbm>>
      tpu.enqueue_dma source(%arg12 : memref<128x128xf32, #tpu.memory_space<vmem>>) target(%dma_start3A_83 : memref<128x128xf32, #tpu.memory_space<hbm>>) target_semaphore(%run_scoped3A_77 : memref<!tpu.dma_semaphore, #tpu.memory_space<semaphore_mem>>)
      %dma_wait3A_84 = arith.constant 0 : i32
      %dma_wait3A_85 = tpu.memref_slice %arg8[%arg0, %add3A_66, %dma_wait3A_84] : memref<2x10240x128xf32, #tpu.memory_space<hbm>> -> memref<1x128x128xf32, #tpu.memory_space<hbm>>
      %dma_wait3A_86 = tpu.memref_squeeze %dma_wait3A_85 : memref<1x128x128xf32, #tpu.memory_space<hbm>> -> memref<128x128xf32, #tpu.memory_space<hbm>>
      %dma_wait3A_87 = arith.constant 0 : i32
      %dma_wait3A_88 = tpu.memref_slice %arg8[%arg0, %add3A_66, %dma_wait3A_87] : memref<2x10240x128xf32, #tpu.memory_space<hbm>> -> memref<1x128x128xf32, #tpu.memory_space<hbm>>
      %dma_wait3A_89 = tpu.memref_squeeze %dma_wait3A_88 : memref<1x128x128xf32, #tpu.memory_space<hbm>> -> memref<128x128xf32, #tpu.memory_space<hbm>>
      tpu.wait_dma2 semaphore(%run_scoped3A_77 : memref<!tpu.dma_semaphore, #tpu.memory_space<semaphore_mem>>) src(%arg12 : memref<128x128xf32, #tpu.memory_space<vmem>>) dst(%dma_wait3A_89 : memref<128x128xf32, #tpu.memory_space<hbm>>)
      tpu.yield
    }) : () -> ()
    %dma_start3A_73 = arith.constant 0 : i32
    %dma_start3A_74 = tpu.memref_slice %arg17[%dma_start3A_73] : memref<10240xf32, #tpu.memory_space<vmem_shared>> -> memref<10240xf32, #tpu.memory_space<vmem_shared>>
    tpu.enqueue_indirect_dma source(%dma_start3A_74 : memref<10240xf32, #tpu.memory_space<vmem_shared>>) target(%arg13 : memref<128xf32, #tpu.memory_space<vmem>>) offsets(%arg10 : memref<128xi32, #tpu.memory_space<vmem>>) semaphore(%arg15 : memref<!tpu.dma_semaphore, #tpu.memory_space<semaphore_mem>>)
    %dma_wait3A_75 = arith.constant 0 : i32
    %dma_wait3A_76 = tpu.memref_slice %arg17[%dma_wait3A_75] : memref<10240xf32, #tpu.memory_space<vmem_shared>> -> memref<10240xf32, #tpu.memory_space<vmem_shared>>
    tpu.wait_indirect_dma semaphore(%arg15 : memref<!tpu.dma_semaphore, #tpu.memory_space<semaphore_mem>>) src(%dma_wait3A_76 : memref<10240xf32, #tpu.memory_space<vmem_shared>>) dst(%arg13 : memref<128xf32, #tpu.memory_space<vmem>>)
    "tpu.region"() ({
      %run_scoped3A_77 = tpu.sem_alloc : memref<!tpu.dma_semaphore, #tpu.memory_space<semaphore_mem>>
      %dma_start3A_78 = tpu.memref_slice %arg9[%arg0, %add3A_66] : memref<2x10240xf32, #tpu.memory_space<hbm>> -> memref<1x128xf32, #tpu.memory_space<hbm>>
      %dma_start3A_79 = tpu.memref_squeeze %dma_start3A_78 : memref<1x128xf32, #tpu.memory_space<hbm>> -> memref<128xf32, #tpu.memory_space<hbm>>
      %dma_start3A_80 = tpu.memref_slice %arg9[%arg0, %add3A_66] : memref<2x10240xf32, #tpu.memory_space<hbm>> -> memref<1x128xf32, #tpu.memory_space<hbm>>
      %dma_start3A_81 = tpu.memref_squeeze %dma_start3A_80 : memref<1x128xf32, #tpu.memory_space<hbm>> -> memref<128xf32, #tpu.memory_space<hbm>>
      tpu.enqueue_dma source(%arg13 : memref<128xf32, #tpu.memory_space<vmem>>) target(%dma_start3A_81 : memref<128xf32, #tpu.memory_space<hbm>>) target_semaphore(%run_scoped3A_77 : memref<!tpu.dma_semaphore, #tpu.memory_space<semaphore_mem>>)
      %dma_wait3A_82 = tpu.memref_slice %arg9[%arg0, %add3A_66] : memref<2x10240xf32, #tpu.memory_space<hbm>> -> memref<1x128xf32, #tpu.memory_space<hbm>>
      %dma_wait3A_83 = tpu.memref_squeeze %dma_wait3A_82 : memref<1x128xf32, #tpu.memory_space<hbm>> -> memref<128xf32, #tpu.memory_space<hbm>>
      %dma_wait3A_84 = tpu.memref_slice %arg9[%arg0, %add3A_66] : memref<2x10240xf32, #tpu.memory_space<hbm>> -> memref<1x128xf32, #tpu.memory_space<hbm>>
      %dma_wait3A_85 = tpu.memref_squeeze %dma_wait3A_84 : memref<1x128xf32, #tpu.memory_space<hbm>> -> memref<128xf32, #tpu.memory_space<hbm>>
      tpu.wait_dma2 semaphore(%run_scoped3A_77 : memref<!tpu.dma_semaphore, #tpu.memory_space<semaphore_mem>>) src(%arg13 : memref<128xf32, #tpu.memory_space<vmem>>) dst(%dma_wait3A_85 : memref<128xf32, #tpu.memory_space<hbm>>)
      tpu.yield
    }) : () -> ()
    return
  }
}

#map = affine_map<(d0, d1) -> (0, 0)>
#map1 = affine_map<(d0, d1) -> (0)>
#map2 = affine_map<(d0, d1) -> (0, 0, 0)>
module attributes {stable_mosaic.version = 14 : i64} {
  func.func @body(%arg0: i32, %arg1: i32, %arg2: memref<10240x128xf32, #tpu.memory_space<hbm>>, %arg3: memref<323584xi32, #tpu.memory_space<hbm>>, %arg4: memref<323584xi32, #tpu.memory_space<hbm>>, %arg5: memref<128x128xf32, #tpu.memory_space<hbm>>, %arg6: memref<128xf32, #tpu.memory_space<hbm>>, %arg7: memref<10240xi32, #tpu.memory_space<hbm>>, %arg8: memref<2x10240x128xf32, #tpu.memory_space<hbm>>, %arg9: memref<128xi32, #tpu.memory_space<vmem>>, %arg10: memref<128xi32, #tpu.memory_space<vmem>>, %arg11: memref<128x128xf32, #tpu.memory_space<vmem>>, %arg12: memref<128xf32, #tpu.memory_space<vmem>>, %arg13: memref<10240x128xf32, #tpu.memory_space<vmem_shared>>, %arg14: memref<!tpu.dma_semaphore, #tpu.memory_space<semaphore_mem>>, %arg15: memref<!tpu.dma_semaphore, #tpu.memory_space<semaphore_mem>>) attributes {dimension_semantics = [#tpu.dimension_semantics<core_parallel>, #tpu.dimension_semantics<subcore_parallel>], iteration_bounds = array<i64: 2, 16>, scalar_prefetch = 0 : i64, scratch_operands = 7 : i64, tpu.core_type = #tpu.core_type<sc_vector_subcore>, window_params = [{transform_indices = #map}, {transform_indices = #map1}, {transform_indices = #map1}, {transform_indices = #map}, {transform_indices = #map1}, {transform_indices = #map1}, {transform_indices = #map2}]} {
    %mul3A = arith.constant 16 : i32
    %mul3A_0 = arith.muli %arg0, %mul3A : i32
    %add3A = arith.addi %mul3A_0, %arg1 : i32
    "tpu.region"() ({
      %run_scoped3A_57 = tpu.sem_alloc : memref<!tpu.dma_semaphore, #tpu.memory_space<semaphore_mem>>
      tpu.enqueue_dma source(%arg5 : memref<128x128xf32, #tpu.memory_space<hbm>>) target(%arg11 : memref<128x128xf32, #tpu.memory_space<vmem>>) target_semaphore(%run_scoped3A_57 : memref<!tpu.dma_semaphore, #tpu.memory_space<semaphore_mem>>)
      tpu.wait_dma2 semaphore(%run_scoped3A_57 : memref<!tpu.dma_semaphore, #tpu.memory_space<semaphore_mem>>) src(%arg5 : memref<128x128xf32, #tpu.memory_space<hbm>>) dst(%arg11 : memref<128x128xf32, #tpu.memory_space<vmem>>)
      tpu.yield
    }) : () -> ()
    %run_scoped3A = arith.constant 0 : i32
    "tpu.region"() ({
      %run_scoped3A_57 = tpu.sem_alloc : memref<!tpu.dma_semaphore, #tpu.memory_space<semaphore_mem>>
      %dma_start3A_58 = arith.constant 0 : i32
      %dma_start3A_59 = tpu.memref_slice %arg5[%run_scoped3A, %dma_start3A_58] : memref<128x128xf32, #tpu.memory_space<hbm>> -> memref<1x128xf32, #tpu.memory_space<hbm>>
      %dma_start3A_60 = tpu.memref_squeeze %dma_start3A_59 : memref<1x128xf32, #tpu.memory_space<hbm>> -> memref<128xf32, #tpu.memory_space<hbm>>
      %dma_start3A_61 = arith.constant 0 : i32
      %dma_start3A_62 = tpu.memref_slice %arg5[%run_scoped3A, %dma_start3A_61] : memref<128x128xf32, #tpu.memory_space<hbm>> -> memref<1x128xf32, #tpu.memory_space<hbm>>
      %dma_start3A_63 = tpu.memref_squeeze %dma_start3A_62 : memref<1x128xf32, #tpu.memory_space<hbm>> -> memref<128xf32, #tpu.memory_space<hbm>>
      tpu.enqueue_dma source(%dma_start3A_63 : memref<128xf32, #tpu.memory_space<hbm>>) target(%arg12 : memref<128xf32, #tpu.memory_space<vmem>>) target_semaphore(%run_scoped3A_57 : memref<!tpu.dma_semaphore, #tpu.memory_space<semaphore_mem>>)
      %dma_wait3A_64 = arith.constant 0 : i32
      %dma_wait3A_65 = tpu.memref_slice %arg5[%run_scoped3A, %dma_wait3A_64] : memref<128x128xf32, #tpu.memory_space<hbm>> -> memref<1x128xf32, #tpu.memory_space<hbm>>
      %dma_wait3A_66 = tpu.memref_squeeze %dma_wait3A_65 : memref<1x128xf32, #tpu.memory_space<hbm>> -> memref<128xf32, #tpu.memory_space<hbm>>
      %dma_wait3A_67 = arith.constant 0 : i32
      %dma_wait3A_68 = tpu.memref_slice %arg5[%run_scoped3A, %dma_wait3A_67] : memref<128x128xf32, #tpu.memory_space<hbm>> -> memref<1x128xf32, #tpu.memory_space<hbm>>
      %dma_wait3A_69 = tpu.memref_squeeze %dma_wait3A_68 : memref<1x128xf32, #tpu.memory_space<hbm>> -> memref<128xf32, #tpu.memory_space<hbm>>
      tpu.wait_dma2 semaphore(%run_scoped3A_57 : memref<!tpu.dma_semaphore, #tpu.memory_space<semaphore_mem>>) src(%dma_wait3A_69 : memref<128xf32, #tpu.memory_space<hbm>>) dst(%arg12 : memref<128xf32, #tpu.memory_space<vmem>>)
      tpu.yield
    }) : () -> ()
    %mul3A_1 = arith.constant 640 : i32
    %mul3A_2 = arith.muli %arg1, %mul3A_1 : i32
    %add3A_3 = arith.constant 0 : i32
    %add3A_4 = arith.addi %mul3A_2, %add3A_3 : i32
    "tpu.region"() ({
      %run_scoped3A_57 = tpu.sem_alloc : memref<!tpu.dma_semaphore, #tpu.memory_space<semaphore_mem>>
      %dma_start3A_58 = tpu.memref_slice %arg7[%add3A_4] : memref<10240xi32, #tpu.memory_space<hbm>> -> memref<128xi32, #tpu.memory_space<hbm>>
      %dma_start3A_59 = tpu.memref_slice %arg7[%add3A_4] : memref<10240xi32, #tpu.memory_space<hbm>> -> memref<128xi32, #tpu.memory_space<hbm>>
      tpu.enqueue_dma source(%dma_start3A_59 : memref<128xi32, #tpu.memory_space<hbm>>) target(%arg9 : memref<128xi32, #tpu.memory_space<vmem>>) target_semaphore(%run_scoped3A_57 : memref<!tpu.dma_semaphore, #tpu.memory_space<semaphore_mem>>)
      %dma_wait3A_60 = tpu.memref_slice %arg7[%add3A_4] : memref<10240xi32, #tpu.memory_space<hbm>> -> memref<128xi32, #tpu.memory_space<hbm>>
      %dma_wait3A_61 = tpu.memref_slice %arg7[%add3A_4] : memref<10240xi32, #tpu.memory_space<hbm>> -> memref<128xi32, #tpu.memory_space<hbm>>
      tpu.wait_dma2 semaphore(%run_scoped3A_57 : memref<!tpu.dma_semaphore, #tpu.memory_space<semaphore_mem>>) src(%dma_wait3A_61 : memref<128xi32, #tpu.memory_space<hbm>>) dst(%arg9 : memref<128xi32, #tpu.memory_space<vmem>>)
      tpu.yield
    }) : () -> ()
    "tpu.region"() ({
      %run_scoped3A_57 = tpu.sem_alloc : memref<!tpu.dma_semaphore, #tpu.memory_space<semaphore_mem>>
      %dma_start3A_58 = arith.constant 0 : i32
      %dma_start3A_59 = arith.constant 0 : i32
      %dma_start3A_60 = tpu.memref_slice %arg13[%dma_start3A_58, %dma_start3A_59] : memref<10240x128xf32, #tpu.memory_space<vmem_shared>> -> memref<10240x128xf32, #tpu.memory_space<vmem_shared>>
      tpu.enqueue_indirect_dma source(%arg11 : memref<128x128xf32, #tpu.memory_space<vmem>>) target(%dma_start3A_60 : memref<10240x128xf32, #tpu.memory_space<vmem_shared>>) offsets(%arg9 : memref<128xi32, #tpu.memory_space<vmem>>) semaphore(%run_scoped3A_57 : memref<!tpu.dma_semaphore, #tpu.memory_space<semaphore_mem>>)
      %dma_wait3A_61 = arith.constant 0 : i32
      %dma_wait3A_62 = arith.constant 0 : i32
      %dma_wait3A_63 = tpu.memref_slice %arg13[%dma_wait3A_61, %dma_wait3A_62] : memref<10240x128xf32, #tpu.memory_space<vmem_shared>> -> memref<10240x128xf32, #tpu.memory_space<vmem_shared>>
      tpu.wait_indirect_dma semaphore(%run_scoped3A_57 : memref<!tpu.dma_semaphore, #tpu.memory_space<semaphore_mem>>) src(%arg11 : memref<128x128xf32, #tpu.memory_space<vmem>>) dst(%dma_wait3A_63 : memref<10240x128xf32, #tpu.memory_space<vmem_shared>>)
      tpu.yield
    }) : () -> ()
    %add3A_5 = arith.constant 128 : i32
    %add3A_6 = arith.addi %mul3A_2, %add3A_5 : i32
    "tpu.region"() ({
      %run_scoped3A_57 = tpu.sem_alloc : memref<!tpu.dma_semaphore, #tpu.memory_space<semaphore_mem>>
      %dma_start3A_58 = tpu.memref_slice %arg7[%add3A_6] : memref<10240xi32, #tpu.memory_space<hbm>> -> memref<128xi32, #tpu.memory_space<hbm>>
      %dma_start3A_59 = tpu.memref_slice %arg7[%add3A_6] : memref<10240xi32, #tpu.memory_space<hbm>> -> memref<128xi32, #tpu.memory_space<hbm>>
      tpu.enqueue_dma source(%dma_start3A_59 : memref<128xi32, #tpu.memory_space<hbm>>) target(%arg9 : memref<128xi32, #tpu.memory_space<vmem>>) target_semaphore(%run_scoped3A_57 : memref<!tpu.dma_semaphore, #tpu.memory_space<semaphore_mem>>)
      %dma_wait3A_60 = tpu.memref_slice %arg7[%add3A_6] : memref<10240xi32, #tpu.memory_space<hbm>> -> memref<128xi32, #tpu.memory_space<hbm>>
      %dma_wait3A_61 = tpu.memref_slice %arg7[%add3A_6] : memref<10240xi32, #tpu.memory_space<hbm>> -> memref<128xi32, #tpu.memory_space<hbm>>
      tpu.wait_dma2 semaphore(%run_scoped3A_57 : memref<!tpu.dma_semaphore, #tpu.memory_space<semaphore_mem>>) src(%dma_wait3A_61 : memref<128xi32, #tpu.memory_space<hbm>>) dst(%arg9 : memref<128xi32, #tpu.memory_space<vmem>>)
      tpu.yield
    }) : () -> ()
    "tpu.region"() ({
      %run_scoped3A_57 = tpu.sem_alloc : memref<!tpu.dma_semaphore, #tpu.memory_space<semaphore_mem>>
      %dma_start3A_58 = arith.constant 0 : i32
      %dma_start3A_59 = arith.constant 0 : i32
      %dma_start3A_60 = tpu.memref_slice %arg13[%dma_start3A_58, %dma_start3A_59] : memref<10240x128xf32, #tpu.memory_space<vmem_shared>> -> memref<10240x128xf32, #tpu.memory_space<vmem_shared>>
      tpu.enqueue_indirect_dma source(%arg11 : memref<128x128xf32, #tpu.memory_space<vmem>>) target(%dma_start3A_60 : memref<10240x128xf32, #tpu.memory_space<vmem_shared>>) offsets(%arg9 : memref<128xi32, #tpu.memory_space<vmem>>) semaphore(%run_scoped3A_57 : memref<!tpu.dma_semaphore, #tpu.memory_space<semaphore_mem>>)
      %dma_wait3A_61 = arith.constant 0 : i32
      %dma_wait3A_62 = arith.constant 0 : i32
      %dma_wait3A_63 = tpu.memref_slice %arg13[%dma_wait3A_61, %dma_wait3A_62] : memref<10240x128xf32, #tpu.memory_space<vmem_shared>> -> memref<10240x128xf32, #tpu.memory_space<vmem_shared>>
      tpu.wait_indirect_dma semaphore(%run_scoped3A_57 : memref<!tpu.dma_semaphore, #tpu.memory_space<semaphore_mem>>) src(%arg11 : memref<128x128xf32, #tpu.memory_space<vmem>>) dst(%dma_wait3A_63 : memref<10240x128xf32, #tpu.memory_space<vmem_shared>>)
      tpu.yield
    }) : () -> ()
    %add3A_7 = arith.constant 256 : i32
    %add3A_8 = arith.addi %mul3A_2, %add3A_7 : i32
    "tpu.region"() ({
      %run_scoped3A_57 = tpu.sem_alloc : memref<!tpu.dma_semaphore, #tpu.memory_space<semaphore_mem>>
      %dma_start3A_58 = tpu.memref_slice %arg7[%add3A_8] : memref<10240xi32, #tpu.memory_space<hbm>> -> memref<128xi32, #tpu.memory_space<hbm>>
      %dma_start3A_59 = tpu.memref_slice %arg7[%add3A_8] : memref<10240xi32, #tpu.memory_space<hbm>> -> memref<128xi32, #tpu.memory_space<hbm>>
      tpu.enqueue_dma source(%dma_start3A_59 : memref<128xi32, #tpu.memory_space<hbm>>) target(%arg9 : memref<128xi32, #tpu.memory_space<vmem>>) target_semaphore(%run_scoped3A_57 : memref<!tpu.dma_semaphore, #tpu.memory_space<semaphore_mem>>)
      %dma_wait3A_60 = tpu.memref_slice %arg7[%add3A_8] : memref<10240xi32, #tpu.memory_space<hbm>> -> memref<128xi32, #tpu.memory_space<hbm>>
      %dma_wait3A_61 = tpu.memref_slice %arg7[%add3A_8] : memref<10240xi32, #tpu.memory_space<hbm>> -> memref<128xi32, #tpu.memory_space<hbm>>
      tpu.wait_dma2 semaphore(%run_scoped3A_57 : memref<!tpu.dma_semaphore, #tpu.memory_space<semaphore_mem>>) src(%dma_wait3A_61 : memref<128xi32, #tpu.memory_space<hbm>>) dst(%arg9 : memref<128xi32, #tpu.memory_space<vmem>>)
      tpu.yield
    }) : () -> ()
    "tpu.region"() ({
      %run_scoped3A_57 = tpu.sem_alloc : memref<!tpu.dma_semaphore, #tpu.memory_space<semaphore_mem>>
      %dma_start3A_58 = arith.constant 0 : i32
      %dma_start3A_59 = arith.constant 0 : i32
      %dma_start3A_60 = tpu.memref_slice %arg13[%dma_start3A_58, %dma_start3A_59] : memref<10240x128xf32, #tpu.memory_space<vmem_shared>> -> memref<10240x128xf32, #tpu.memory_space<vmem_shared>>
      tpu.enqueue_indirect_dma source(%arg11 : memref<128x128xf32, #tpu.memory_space<vmem>>) target(%dma_start3A_60 : memref<10240x128xf32, #tpu.memory_space<vmem_shared>>) offsets(%arg9 : memref<128xi32, #tpu.memory_space<vmem>>) semaphore(%run_scoped3A_57 : memref<!tpu.dma_semaphore, #tpu.memory_space<semaphore_mem>>)
      %dma_wait3A_61 = arith.constant 0 : i32
      %dma_wait3A_62 = arith.constant 0 : i32
      %dma_wait3A_63 = tpu.memref_slice %arg13[%dma_wait3A_61, %dma_wait3A_62] : memref<10240x128xf32, #tpu.memory_space<vmem_shared>> -> memref<10240x128xf32, #tpu.memory_space<vmem_shared>>
      tpu.wait_indirect_dma semaphore(%run_scoped3A_57 : memref<!tpu.dma_semaphore, #tpu.memory_space<semaphore_mem>>) src(%arg11 : memref<128x128xf32, #tpu.memory_space<vmem>>) dst(%dma_wait3A_63 : memref<10240x128xf32, #tpu.memory_space<vmem_shared>>)
      tpu.yield
    }) : () -> ()
    %add3A_9 = arith.constant 384 : i32
    %add3A_10 = arith.addi %mul3A_2, %add3A_9 : i32
    "tpu.region"() ({
      %run_scoped3A_57 = tpu.sem_alloc : memref<!tpu.dma_semaphore, #tpu.memory_space<semaphore_mem>>
      %dma_start3A_58 = tpu.memref_slice %arg7[%add3A_10] : memref<10240xi32, #tpu.memory_space<hbm>> -> memref<128xi32, #tpu.memory_space<hbm>>
      %dma_start3A_59 = tpu.memref_slice %arg7[%add3A_10] : memref<10240xi32, #tpu.memory_space<hbm>> -> memref<128xi32, #tpu.memory_space<hbm>>
      tpu.enqueue_dma source(%dma_start3A_59 : memref<128xi32, #tpu.memory_space<hbm>>) target(%arg9 : memref<128xi32, #tpu.memory_space<vmem>>) target_semaphore(%run_scoped3A_57 : memref<!tpu.dma_semaphore, #tpu.memory_space<semaphore_mem>>)
      %dma_wait3A_60 = tpu.memref_slice %arg7[%add3A_10] : memref<10240xi32, #tpu.memory_space<hbm>> -> memref<128xi32, #tpu.memory_space<hbm>>
      %dma_wait3A_61 = tpu.memref_slice %arg7[%add3A_10] : memref<10240xi32, #tpu.memory_space<hbm>> -> memref<128xi32, #tpu.memory_space<hbm>>
      tpu.wait_dma2 semaphore(%run_scoped3A_57 : memref<!tpu.dma_semaphore, #tpu.memory_space<semaphore_mem>>) src(%dma_wait3A_61 : memref<128xi32, #tpu.memory_space<hbm>>) dst(%arg9 : memref<128xi32, #tpu.memory_space<vmem>>)
      tpu.yield
    }) : () -> ()
    "tpu.region"() ({
      %run_scoped3A_57 = tpu.sem_alloc : memref<!tpu.dma_semaphore, #tpu.memory_space<semaphore_mem>>
      %dma_start3A_58 = arith.constant 0 : i32
      %dma_start3A_59 = arith.constant 0 : i32
      %dma_start3A_60 = tpu.memref_slice %arg13[%dma_start3A_58, %dma_start3A_59] : memref<10240x128xf32, #tpu.memory_space<vmem_shared>> -> memref<10240x128xf32, #tpu.memory_space<vmem_shared>>
      tpu.enqueue_indirect_dma source(%arg11 : memref<128x128xf32, #tpu.memory_space<vmem>>) target(%dma_start3A_60 : memref<10240x128xf32, #tpu.memory_space<vmem_shared>>) offsets(%arg9 : memref<128xi32, #tpu.memory_space<vmem>>) semaphore(%run_scoped3A_57 : memref<!tpu.dma_semaphore, #tpu.memory_space<semaphore_mem>>)
      %dma_wait3A_61 = arith.constant 0 : i32
      %dma_wait3A_62 = arith.constant 0 : i32
      %dma_wait3A_63 = tpu.memref_slice %arg13[%dma_wait3A_61, %dma_wait3A_62] : memref<10240x128xf32, #tpu.memory_space<vmem_shared>> -> memref<10240x128xf32, #tpu.memory_space<vmem_shared>>
      tpu.wait_indirect_dma semaphore(%run_scoped3A_57 : memref<!tpu.dma_semaphore, #tpu.memory_space<semaphore_mem>>) src(%arg11 : memref<128x128xf32, #tpu.memory_space<vmem>>) dst(%dma_wait3A_63 : memref<10240x128xf32, #tpu.memory_space<vmem_shared>>)
      tpu.yield
    }) : () -> ()
    %add3A_11 = arith.constant 512 : i32
    %add3A_12 = arith.addi %mul3A_2, %add3A_11 : i32
    "tpu.region"() ({
      %run_scoped3A_57 = tpu.sem_alloc : memref<!tpu.dma_semaphore, #tpu.memory_space<semaphore_mem>>
      %dma_start3A_58 = tpu.memref_slice %arg7[%add3A_12] : memref<10240xi32, #tpu.memory_space<hbm>> -> memref<128xi32, #tpu.memory_space<hbm>>
      %dma_start3A_59 = tpu.memref_slice %arg7[%add3A_12] : memref<10240xi32, #tpu.memory_space<hbm>> -> memref<128xi32, #tpu.memory_space<hbm>>
      tpu.enqueue_dma source(%dma_start3A_59 : memref<128xi32, #tpu.memory_space<hbm>>) target(%arg9 : memref<128xi32, #tpu.memory_space<vmem>>) target_semaphore(%run_scoped3A_57 : memref<!tpu.dma_semaphore, #tpu.memory_space<semaphore_mem>>)
      %dma_wait3A_60 = tpu.memref_slice %arg7[%add3A_12] : memref<10240xi32, #tpu.memory_space<hbm>> -> memref<128xi32, #tpu.memory_space<hbm>>
      %dma_wait3A_61 = tpu.memref_slice %arg7[%add3A_12] : memref<10240xi32, #tpu.memory_space<hbm>> -> memref<128xi32, #tpu.memory_space<hbm>>
      tpu.wait_dma2 semaphore(%run_scoped3A_57 : memref<!tpu.dma_semaphore, #tpu.memory_space<semaphore_mem>>) src(%dma_wait3A_61 : memref<128xi32, #tpu.memory_space<hbm>>) dst(%arg9 : memref<128xi32, #tpu.memory_space<vmem>>)
      tpu.yield
    }) : () -> ()
    "tpu.region"() ({
      %run_scoped3A_57 = tpu.sem_alloc : memref<!tpu.dma_semaphore, #tpu.memory_space<semaphore_mem>>
      %dma_start3A_58 = arith.constant 0 : i32
      %dma_start3A_59 = arith.constant 0 : i32
      %dma_start3A_60 = tpu.memref_slice %arg13[%dma_start3A_58, %dma_start3A_59] : memref<10240x128xf32, #tpu.memory_space<vmem_shared>> -> memref<10240x128xf32, #tpu.memory_space<vmem_shared>>
      tpu.enqueue_indirect_dma source(%arg11 : memref<128x128xf32, #tpu.memory_space<vmem>>) target(%dma_start3A_60 : memref<10240x128xf32, #tpu.memory_space<vmem_shared>>) offsets(%arg9 : memref<128xi32, #tpu.memory_space<vmem>>) semaphore(%run_scoped3A_57 : memref<!tpu.dma_semaphore, #tpu.memory_space<semaphore_mem>>)
      %dma_wait3A_61 = arith.constant 0 : i32
      %dma_wait3A_62 = arith.constant 0 : i32
      %dma_wait3A_63 = tpu.memref_slice %arg13[%dma_wait3A_61, %dma_wait3A_62] : memref<10240x128xf32, #tpu.memory_space<vmem_shared>> -> memref<10240x128xf32, #tpu.memory_space<vmem_shared>>
      tpu.wait_indirect_dma semaphore(%run_scoped3A_57 : memref<!tpu.dma_semaphore, #tpu.memory_space<semaphore_mem>>) src(%arg11 : memref<128x128xf32, #tpu.memory_space<vmem>>) dst(%dma_wait3A_63 : memref<10240x128xf32, #tpu.memory_space<vmem_shared>>)
      tpu.yield
    }) : () -> ()
    %barrier3A = arith.constant 0 : index
    tpu.barrier barrier_id(%barrier3A)
    %scan3A = arith.constant 0 : i32
    %scan3A_13 = arith.constant 0 : i32
    %scan3A_14 = arith.constant 79 : i32
    %scan3A_15 = arith.addi %scan3A_13, %scan3A_14 : i32
    %scan3A_16 = arith.constant 1 : i32
    scf.for %scan3A_57 = %scan3A_13 to %scan3A_15 step %scan3A_16  : i32 {
      %mul3A_58 = arith.constant 79 : i32
      %mul3A_59 = arith.muli %add3A, %mul3A_58 : i32
      %add3A_60 = arith.addi %mul3A_59, %scan3A_57 : i32
      %mul3A_61 = arith.constant 128 : i32
      %mul3A_62 = arith.muli %add3A_60, %mul3A_61 : i32
      %dma_start3A_63 = tpu.memref_slice %arg4[%mul3A_62] : memref<323584xi32, #tpu.memory_space<hbm>> -> memref<128xi32, #tpu.memory_space<hbm>>
      %dma_start3A_64 = tpu.memref_slice %arg4[%mul3A_62] : memref<323584xi32, #tpu.memory_space<hbm>> -> memref<128xi32, #tpu.memory_space<hbm>>
      tpu.enqueue_dma source(%dma_start3A_64 : memref<128xi32, #tpu.memory_space<hbm>>) target(%arg10 : memref<128xi32, #tpu.memory_space<vmem>>) target_semaphore(%arg15 : memref<!tpu.dma_semaphore, #tpu.memory_space<semaphore_mem>>)
      "tpu.region"() ({
        %run_scoped3A_73 = tpu.sem_alloc : memref<!tpu.dma_semaphore, #tpu.memory_space<semaphore_mem>>
        %dma_start3A_74 = tpu.memref_slice %arg3[%mul3A_62] : memref<323584xi32, #tpu.memory_space<hbm>> -> memref<128xi32, #tpu.memory_space<hbm>>
        %dma_start3A_75 = tpu.memref_slice %arg3[%mul3A_62] : memref<323584xi32, #tpu.memory_space<hbm>> -> memref<128xi32, #tpu.memory_space<hbm>>
        tpu.enqueue_dma source(%dma_start3A_75 : memref<128xi32, #tpu.memory_space<hbm>>) target(%arg9 : memref<128xi32, #tpu.memory_space<vmem>>) target_semaphore(%run_scoped3A_73 : memref<!tpu.dma_semaphore, #tpu.memory_space<semaphore_mem>>)
        %dma_wait3A_76 = tpu.memref_slice %arg3[%mul3A_62] : memref<323584xi32, #tpu.memory_space<hbm>> -> memref<128xi32, #tpu.memory_space<hbm>>
        %dma_wait3A_77 = tpu.memref_slice %arg3[%mul3A_62] : memref<323584xi32, #tpu.memory_space<hbm>> -> memref<128xi32, #tpu.memory_space<hbm>>
        tpu.wait_dma2 semaphore(%run_scoped3A_73 : memref<!tpu.dma_semaphore, #tpu.memory_space<semaphore_mem>>) src(%dma_wait3A_77 : memref<128xi32, #tpu.memory_space<hbm>>) dst(%arg9 : memref<128xi32, #tpu.memory_space<vmem>>)
        tpu.yield
      }) : () -> ()
      %dma_start3A_65 = arith.constant 0 : i32
      %dma_start3A_66 = arith.constant 0 : i32
      %dma_start3A_67 = tpu.memref_slice %arg2[%dma_start3A_65, %dma_start3A_66] : memref<10240x128xf32, #tpu.memory_space<hbm>> -> memref<10240x128xf32, #tpu.memory_space<hbm>>
      tpu.enqueue_indirect_dma source(%dma_start3A_67 : memref<10240x128xf32, #tpu.memory_space<hbm>>) target(%arg11 : memref<128x128xf32, #tpu.memory_space<vmem>>) offsets(%arg9 : memref<128xi32, #tpu.memory_space<vmem>>) semaphore(%arg14 : memref<!tpu.dma_semaphore, #tpu.memory_space<semaphore_mem>>)
      %dma_wait3A_68 = arith.constant 0 : i32
      %dma_wait3A_69 = arith.constant 0 : i32
      %dma_wait3A_70 = tpu.memref_slice %arg2[%dma_wait3A_68, %dma_wait3A_69] : memref<10240x128xf32, #tpu.memory_space<hbm>> -> memref<10240x128xf32, #tpu.memory_space<hbm>>
      tpu.wait_indirect_dma semaphore(%arg14 : memref<!tpu.dma_semaphore, #tpu.memory_space<semaphore_mem>>) src(%dma_wait3A_70 : memref<10240x128xf32, #tpu.memory_space<hbm>>) dst(%arg11 : memref<128x128xf32, #tpu.memory_space<vmem>>)
      %dma_wait3A_71 = tpu.memref_slice %arg4[%mul3A_62] : memref<323584xi32, #tpu.memory_space<hbm>> -> memref<128xi32, #tpu.memory_space<hbm>>
      %dma_wait3A_72 = tpu.memref_slice %arg4[%mul3A_62] : memref<323584xi32, #tpu.memory_space<hbm>> -> memref<128xi32, #tpu.memory_space<hbm>>
      tpu.wait_dma2 semaphore(%arg15 : memref<!tpu.dma_semaphore, #tpu.memory_space<semaphore_mem>>) src(%dma_wait3A_72 : memref<128xi32, #tpu.memory_space<hbm>>) dst(%arg10 : memref<128xi32, #tpu.memory_space<vmem>>)
      "tpu.region"() ({
        %run_scoped3A_73 = tpu.sem_alloc : memref<!tpu.dma_semaphore, #tpu.memory_space<semaphore_mem>>
        %dma_start3A_74 = arith.constant 0 : i32
        %dma_start3A_75 = arith.constant 0 : i32
        %dma_start3A_76 = tpu.memref_slice %arg13[%dma_start3A_74, %dma_start3A_75] : memref<10240x128xf32, #tpu.memory_space<vmem_shared>> -> memref<10240x128xf32, #tpu.memory_space<vmem_shared>>
        tpu.enqueue_indirect_dma source(%arg11 : memref<128x128xf32, #tpu.memory_space<vmem>>) target(%dma_start3A_76 : memref<10240x128xf32, #tpu.memory_space<vmem_shared>>) offsets(%arg10 : memref<128xi32, #tpu.memory_space<vmem>>) semaphore(%run_scoped3A_73 : memref<!tpu.dma_semaphore, #tpu.memory_space<semaphore_mem>>) {add = true}
        %dma_wait3A_77 = arith.constant 0 : i32
        %dma_wait3A_78 = arith.constant 0 : i32
        %dma_wait3A_79 = tpu.memref_slice %arg13[%dma_wait3A_77, %dma_wait3A_78] : memref<10240x128xf32, #tpu.memory_space<vmem_shared>> -> memref<10240x128xf32, #tpu.memory_space<vmem_shared>>
        tpu.wait_indirect_dma semaphore(%run_scoped3A_73 : memref<!tpu.dma_semaphore, #tpu.memory_space<semaphore_mem>>) src(%arg11 : memref<128x128xf32, #tpu.memory_space<vmem>>) dst(%dma_wait3A_79 : memref<10240x128xf32, #tpu.memory_space<vmem_shared>>)
        tpu.yield
      }) : () -> ()
    }
    %scan3A_17 = arith.constant 79 : i32
    %barrier3A_18 = arith.constant 0 : index
    tpu.barrier barrier_id(%barrier3A_18)
    %add3A_19 = arith.constant 0 : i32
    %add3A_20 = arith.addi %mul3A_2, %add3A_19 : i32
    "tpu.region"() ({
      %run_scoped3A_57 = tpu.sem_alloc : memref<!tpu.dma_semaphore, #tpu.memory_space<semaphore_mem>>
      %dma_start3A_58 = tpu.memref_slice %arg7[%add3A_20] : memref<10240xi32, #tpu.memory_space<hbm>> -> memref<128xi32, #tpu.memory_space<hbm>>
      %dma_start3A_59 = tpu.memref_slice %arg7[%add3A_20] : memref<10240xi32, #tpu.memory_space<hbm>> -> memref<128xi32, #tpu.memory_space<hbm>>
      tpu.enqueue_dma source(%dma_start3A_59 : memref<128xi32, #tpu.memory_space<hbm>>) target(%arg9 : memref<128xi32, #tpu.memory_space<vmem>>) target_semaphore(%run_scoped3A_57 : memref<!tpu.dma_semaphore, #tpu.memory_space<semaphore_mem>>)
      %dma_wait3A_60 = tpu.memref_slice %arg7[%add3A_20] : memref<10240xi32, #tpu.memory_space<hbm>> -> memref<128xi32, #tpu.memory_space<hbm>>
      %dma_wait3A_61 = tpu.memref_slice %arg7[%add3A_20] : memref<10240xi32, #tpu.memory_space<hbm>> -> memref<128xi32, #tpu.memory_space<hbm>>
      tpu.wait_dma2 semaphore(%run_scoped3A_57 : memref<!tpu.dma_semaphore, #tpu.memory_space<semaphore_mem>>) src(%dma_wait3A_61 : memref<128xi32, #tpu.memory_space<hbm>>) dst(%arg9 : memref<128xi32, #tpu.memory_space<vmem>>)
      tpu.yield
    }) : () -> ()
    %dma_start3A = arith.constant 0 : i32
    %dma_start3A_21 = arith.constant 0 : i32
    %dma_start3A_22 = tpu.memref_slice %arg13[%dma_start3A, %dma_start3A_21] : memref<10240x128xf32, #tpu.memory_space<vmem_shared>> -> memref<10240x128xf32, #tpu.memory_space<vmem_shared>>
    tpu.enqueue_indirect_dma source(%dma_start3A_22 : memref<10240x128xf32, #tpu.memory_space<vmem_shared>>) target(%arg11 : memref<128x128xf32, #tpu.memory_space<vmem>>) offsets(%arg9 : memref<128xi32, #tpu.memory_space<vmem>>) semaphore(%arg14 : memref<!tpu.dma_semaphore, #tpu.memory_space<semaphore_mem>>)
    %dma_wait3A = arith.constant 0 : i32
    %dma_wait3A_23 = arith.constant 0 : i32
    %dma_wait3A_24 = tpu.memref_slice %arg13[%dma_wait3A, %dma_wait3A_23] : memref<10240x128xf32, #tpu.memory_space<vmem_shared>> -> memref<10240x128xf32, #tpu.memory_space<vmem_shared>>
    tpu.wait_indirect_dma semaphore(%arg14 : memref<!tpu.dma_semaphore, #tpu.memory_space<semaphore_mem>>) src(%dma_wait3A_24 : memref<10240x128xf32, #tpu.memory_space<vmem_shared>>) dst(%arg11 : memref<128x128xf32, #tpu.memory_space<vmem>>)
    "tpu.region"() ({
      %run_scoped3A_57 = tpu.sem_alloc : memref<!tpu.dma_semaphore, #tpu.memory_space<semaphore_mem>>
      %dma_start3A_58 = arith.constant 0 : i32
      %dma_start3A_59 = tpu.memref_slice %arg8[%arg0, %add3A_20, %dma_start3A_58] : memref<2x10240x128xf32, #tpu.memory_space<hbm>> -> memref<1x128x128xf32, #tpu.memory_space<hbm>>
      %dma_start3A_60 = tpu.memref_squeeze %dma_start3A_59 : memref<1x128x128xf32, #tpu.memory_space<hbm>> -> memref<128x128xf32, #tpu.memory_space<hbm>>
      %dma_start3A_61 = arith.constant 0 : i32
      %dma_start3A_62 = tpu.memref_slice %arg8[%arg0, %add3A_20, %dma_start3A_61] : memref<2x10240x128xf32, #tpu.memory_space<hbm>> -> memref<1x128x128xf32, #tpu.memory_space<hbm>>
      %dma_start3A_63 = tpu.memref_squeeze %dma_start3A_62 : memref<1x128x128xf32, #tpu.memory_space<hbm>> -> memref<128x128xf32, #tpu.memory_space<hbm>>
      tpu.enqueue_dma source(%arg11 : memref<128x128xf32, #tpu.memory_space<vmem>>) target(%dma_start3A_63 : memref<128x128xf32, #tpu.memory_space<hbm>>) target_semaphore(%run_scoped3A_57 : memref<!tpu.dma_semaphore, #tpu.memory_space<semaphore_mem>>)
      %dma_wait3A_64 = arith.constant 0 : i32
      %dma_wait3A_65 = tpu.memref_slice %arg8[%arg0, %add3A_20, %dma_wait3A_64] : memref<2x10240x128xf32, #tpu.memory_space<hbm>> -> memref<1x128x128xf32, #tpu.memory_space<hbm>>
      %dma_wait3A_66 = tpu.memref_squeeze %dma_wait3A_65 : memref<1x128x128xf32, #tpu.memory_space<hbm>> -> memref<128x128xf32, #tpu.memory_space<hbm>>
      %dma_wait3A_67 = arith.constant 0 : i32
      %dma_wait3A_68 = tpu.memref_slice %arg8[%arg0, %add3A_20, %dma_wait3A_67] : memref<2x10240x128xf32, #tpu.memory_space<hbm>> -> memref<1x128x128xf32, #tpu.memory_space<hbm>>
      %dma_wait3A_69 = tpu.memref_squeeze %dma_wait3A_68 : memref<1x128x128xf32, #tpu.memory_space<hbm>> -> memref<128x128xf32, #tpu.memory_space<hbm>>
      tpu.wait_dma2 semaphore(%run_scoped3A_57 : memref<!tpu.dma_semaphore, #tpu.memory_space<semaphore_mem>>) src(%arg11 : memref<128x128xf32, #tpu.memory_space<vmem>>) dst(%dma_wait3A_69 : memref<128x128xf32, #tpu.memory_space<hbm>>)
      tpu.yield
    }) : () -> ()
    %add3A_25 = arith.constant 128 : i32
    %add3A_26 = arith.addi %mul3A_2, %add3A_25 : i32
    "tpu.region"() ({
      %run_scoped3A_57 = tpu.sem_alloc : memref<!tpu.dma_semaphore, #tpu.memory_space<semaphore_mem>>
      %dma_start3A_58 = tpu.memref_slice %arg7[%add3A_26] : memref<10240xi32, #tpu.memory_space<hbm>> -> memref<128xi32, #tpu.memory_space<hbm>>
      %dma_start3A_59 = tpu.memref_slice %arg7[%add3A_26] : memref<10240xi32, #tpu.memory_space<hbm>> -> memref<128xi32, #tpu.memory_space<hbm>>
      tpu.enqueue_dma source(%dma_start3A_59 : memref<128xi32, #tpu.memory_space<hbm>>) target(%arg9 : memref<128xi32, #tpu.memory_space<vmem>>) target_semaphore(%run_scoped3A_57 : memref<!tpu.dma_semaphore, #tpu.memory_space<semaphore_mem>>)
      %dma_wait3A_60 = tpu.memref_slice %arg7[%add3A_26] : memref<10240xi32, #tpu.memory_space<hbm>> -> memref<128xi32, #tpu.memory_space<hbm>>
      %dma_wait3A_61 = tpu.memref_slice %arg7[%add3A_26] : memref<10240xi32, #tpu.memory_space<hbm>> -> memref<128xi32, #tpu.memory_space<hbm>>
      tpu.wait_dma2 semaphore(%run_scoped3A_57 : memref<!tpu.dma_semaphore, #tpu.memory_space<semaphore_mem>>) src(%dma_wait3A_61 : memref<128xi32, #tpu.memory_space<hbm>>) dst(%arg9 : memref<128xi32, #tpu.memory_space<vmem>>)
      tpu.yield
    }) : () -> ()
    %dma_start3A_27 = arith.constant 0 : i32
    %dma_start3A_28 = arith.constant 0 : i32
    %dma_start3A_29 = tpu.memref_slice %arg13[%dma_start3A_27, %dma_start3A_28] : memref<10240x128xf32, #tpu.memory_space<vmem_shared>> -> memref<10240x128xf32, #tpu.memory_space<vmem_shared>>
    tpu.enqueue_indirect_dma source(%dma_start3A_29 : memref<10240x128xf32, #tpu.memory_space<vmem_shared>>) target(%arg11 : memref<128x128xf32, #tpu.memory_space<vmem>>) offsets(%arg9 : memref<128xi32, #tpu.memory_space<vmem>>) semaphore(%arg14 : memref<!tpu.dma_semaphore, #tpu.memory_space<semaphore_mem>>)
    %dma_wait3A_30 = arith.constant 0 : i32
    %dma_wait3A_31 = arith.constant 0 : i32
    %dma_wait3A_32 = tpu.memref_slice %arg13[%dma_wait3A_30, %dma_wait3A_31] : memref<10240x128xf32, #tpu.memory_space<vmem_shared>> -> memref<10240x128xf32, #tpu.memory_space<vmem_shared>>
    tpu.wait_indirect_dma semaphore(%arg14 : memref<!tpu.dma_semaphore, #tpu.memory_space<semaphore_mem>>) src(%dma_wait3A_32 : memref<10240x128xf32, #tpu.memory_space<vmem_shared>>) dst(%arg11 : memref<128x128xf32, #tpu.memory_space<vmem>>)
    "tpu.region"() ({
      %run_scoped3A_57 = tpu.sem_alloc : memref<!tpu.dma_semaphore, #tpu.memory_space<semaphore_mem>>
      %dma_start3A_58 = arith.constant 0 : i32
      %dma_start3A_59 = tpu.memref_slice %arg8[%arg0, %add3A_26, %dma_start3A_58] : memref<2x10240x128xf32, #tpu.memory_space<hbm>> -> memref<1x128x128xf32, #tpu.memory_space<hbm>>
      %dma_start3A_60 = tpu.memref_squeeze %dma_start3A_59 : memref<1x128x128xf32, #tpu.memory_space<hbm>> -> memref<128x128xf32, #tpu.memory_space<hbm>>
      %dma_start3A_61 = arith.constant 0 : i32
      %dma_start3A_62 = tpu.memref_slice %arg8[%arg0, %add3A_26, %dma_start3A_61] : memref<2x10240x128xf32, #tpu.memory_space<hbm>> -> memref<1x128x128xf32, #tpu.memory_space<hbm>>
      %dma_start3A_63 = tpu.memref_squeeze %dma_start3A_62 : memref<1x128x128xf32, #tpu.memory_space<hbm>> -> memref<128x128xf32, #tpu.memory_space<hbm>>
      tpu.enqueue_dma source(%arg11 : memref<128x128xf32, #tpu.memory_space<vmem>>) target(%dma_start3A_63 : memref<128x128xf32, #tpu.memory_space<hbm>>) target_semaphore(%run_scoped3A_57 : memref<!tpu.dma_semaphore, #tpu.memory_space<semaphore_mem>>)
      %dma_wait3A_64 = arith.constant 0 : i32
      %dma_wait3A_65 = tpu.memref_slice %arg8[%arg0, %add3A_26, %dma_wait3A_64] : memref<2x10240x128xf32, #tpu.memory_space<hbm>> -> memref<1x128x128xf32, #tpu.memory_space<hbm>>
      %dma_wait3A_66 = tpu.memref_squeeze %dma_wait3A_65 : memref<1x128x128xf32, #tpu.memory_space<hbm>> -> memref<128x128xf32, #tpu.memory_space<hbm>>
      %dma_wait3A_67 = arith.constant 0 : i32
      %dma_wait3A_68 = tpu.memref_slice %arg8[%arg0, %add3A_26, %dma_wait3A_67] : memref<2x10240x128xf32, #tpu.memory_space<hbm>> -> memref<1x128x128xf32, #tpu.memory_space<hbm>>
      %dma_wait3A_69 = tpu.memref_squeeze %dma_wait3A_68 : memref<1x128x128xf32, #tpu.memory_space<hbm>> -> memref<128x128xf32, #tpu.memory_space<hbm>>
      tpu.wait_dma2 semaphore(%run_scoped3A_57 : memref<!tpu.dma_semaphore, #tpu.memory_space<semaphore_mem>>) src(%arg11 : memref<128x128xf32, #tpu.memory_space<vmem>>) dst(%dma_wait3A_69 : memref<128x128xf32, #tpu.memory_space<hbm>>)
      tpu.yield
    }) : () -> ()
    %add3A_33 = arith.constant 256 : i32
    %add3A_34 = arith.addi %mul3A_2, %add3A_33 : i32
    "tpu.region"() ({
      %run_scoped3A_57 = tpu.sem_alloc : memref<!tpu.dma_semaphore, #tpu.memory_space<semaphore_mem>>
      %dma_start3A_58 = tpu.memref_slice %arg7[%add3A_34] : memref<10240xi32, #tpu.memory_space<hbm>> -> memref<128xi32, #tpu.memory_space<hbm>>
      %dma_start3A_59 = tpu.memref_slice %arg7[%add3A_34] : memref<10240xi32, #tpu.memory_space<hbm>> -> memref<128xi32, #tpu.memory_space<hbm>>
      tpu.enqueue_dma source(%dma_start3A_59 : memref<128xi32, #tpu.memory_space<hbm>>) target(%arg9 : memref<128xi32, #tpu.memory_space<vmem>>) target_semaphore(%run_scoped3A_57 : memref<!tpu.dma_semaphore, #tpu.memory_space<semaphore_mem>>)
      %dma_wait3A_60 = tpu.memref_slice %arg7[%add3A_34] : memref<10240xi32, #tpu.memory_space<hbm>> -> memref<128xi32, #tpu.memory_space<hbm>>
      %dma_wait3A_61 = tpu.memref_slice %arg7[%add3A_34] : memref<10240xi32, #tpu.memory_space<hbm>> -> memref<128xi32, #tpu.memory_space<hbm>>
      tpu.wait_dma2 semaphore(%run_scoped3A_57 : memref<!tpu.dma_semaphore, #tpu.memory_space<semaphore_mem>>) src(%dma_wait3A_61 : memref<128xi32, #tpu.memory_space<hbm>>) dst(%arg9 : memref<128xi32, #tpu.memory_space<vmem>>)
      tpu.yield
    }) : () -> ()
    %dma_start3A_35 = arith.constant 0 : i32
    %dma_start3A_36 = arith.constant 0 : i32
    %dma_start3A_37 = tpu.memref_slice %arg13[%dma_start3A_35, %dma_start3A_36] : memref<10240x128xf32, #tpu.memory_space<vmem_shared>> -> memref<10240x128xf32, #tpu.memory_space<vmem_shared>>
    tpu.enqueue_indirect_dma source(%dma_start3A_37 : memref<10240x128xf32, #tpu.memory_space<vmem_shared>>) target(%arg11 : memref<128x128xf32, #tpu.memory_space<vmem>>) offsets(%arg9 : memref<128xi32, #tpu.memory_space<vmem>>) semaphore(%arg14 : memref<!tpu.dma_semaphore, #tpu.memory_space<semaphore_mem>>)
    %dma_wait3A_38 = arith.constant 0 : i32
    %dma_wait3A_39 = arith.constant 0 : i32
    %dma_wait3A_40 = tpu.memref_slice %arg13[%dma_wait3A_38, %dma_wait3A_39] : memref<10240x128xf32, #tpu.memory_space<vmem_shared>> -> memref<10240x128xf32, #tpu.memory_space<vmem_shared>>
    tpu.wait_indirect_dma semaphore(%arg14 : memref<!tpu.dma_semaphore, #tpu.memory_space<semaphore_mem>>) src(%dma_wait3A_40 : memref<10240x128xf32, #tpu.memory_space<vmem_shared>>) dst(%arg11 : memref<128x128xf32, #tpu.memory_space<vmem>>)
    "tpu.region"() ({
      %run_scoped3A_57 = tpu.sem_alloc : memref<!tpu.dma_semaphore, #tpu.memory_space<semaphore_mem>>
      %dma_start3A_58 = arith.constant 0 : i32
      %dma_start3A_59 = tpu.memref_slice %arg8[%arg0, %add3A_34, %dma_start3A_58] : memref<2x10240x128xf32, #tpu.memory_space<hbm>> -> memref<1x128x128xf32, #tpu.memory_space<hbm>>
      %dma_start3A_60 = tpu.memref_squeeze %dma_start3A_59 : memref<1x128x128xf32, #tpu.memory_space<hbm>> -> memref<128x128xf32, #tpu.memory_space<hbm>>
      %dma_start3A_61 = arith.constant 0 : i32
      %dma_start3A_62 = tpu.memref_slice %arg8[%arg0, %add3A_34, %dma_start3A_61] : memref<2x10240x128xf32, #tpu.memory_space<hbm>> -> memref<1x128x128xf32, #tpu.memory_space<hbm>>
      %dma_start3A_63 = tpu.memref_squeeze %dma_start3A_62 : memref<1x128x128xf32, #tpu.memory_space<hbm>> -> memref<128x128xf32, #tpu.memory_space<hbm>>
      tpu.enqueue_dma source(%arg11 : memref<128x128xf32, #tpu.memory_space<vmem>>) target(%dma_start3A_63 : memref<128x128xf32, #tpu.memory_space<hbm>>) target_semaphore(%run_scoped3A_57 : memref<!tpu.dma_semaphore, #tpu.memory_space<semaphore_mem>>)
      %dma_wait3A_64 = arith.constant 0 : i32
      %dma_wait3A_65 = tpu.memref_slice %arg8[%arg0, %add3A_34, %dma_wait3A_64] : memref<2x10240x128xf32, #tpu.memory_space<hbm>> -> memref<1x128x128xf32, #tpu.memory_space<hbm>>
      %dma_wait3A_66 = tpu.memref_squeeze %dma_wait3A_65 : memref<1x128x128xf32, #tpu.memory_space<hbm>> -> memref<128x128xf32, #tpu.memory_space<hbm>>
      %dma_wait3A_67 = arith.constant 0 : i32
      %dma_wait3A_68 = tpu.memref_slice %arg8[%arg0, %add3A_34, %dma_wait3A_67] : memref<2x10240x128xf32, #tpu.memory_space<hbm>> -> memref<1x128x128xf32, #tpu.memory_space<hbm>>
      %dma_wait3A_69 = tpu.memref_squeeze %dma_wait3A_68 : memref<1x128x128xf32, #tpu.memory_space<hbm>> -> memref<128x128xf32, #tpu.memory_space<hbm>>
      tpu.wait_dma2 semaphore(%run_scoped3A_57 : memref<!tpu.dma_semaphore, #tpu.memory_space<semaphore_mem>>) src(%arg11 : memref<128x128xf32, #tpu.memory_space<vmem>>) dst(%dma_wait3A_69 : memref<128x128xf32, #tpu.memory_space<hbm>>)
      tpu.yield
    }) : () -> ()
    %add3A_41 = arith.constant 384 : i32
    %add3A_42 = arith.addi %mul3A_2, %add3A_41 : i32
    "tpu.region"() ({
      %run_scoped3A_57 = tpu.sem_alloc : memref<!tpu.dma_semaphore, #tpu.memory_space<semaphore_mem>>
      %dma_start3A_58 = tpu.memref_slice %arg7[%add3A_42] : memref<10240xi32, #tpu.memory_space<hbm>> -> memref<128xi32, #tpu.memory_space<hbm>>
      %dma_start3A_59 = tpu.memref_slice %arg7[%add3A_42] : memref<10240xi32, #tpu.memory_space<hbm>> -> memref<128xi32, #tpu.memory_space<hbm>>
      tpu.enqueue_dma source(%dma_start3A_59 : memref<128xi32, #tpu.memory_space<hbm>>) target(%arg9 : memref<128xi32, #tpu.memory_space<vmem>>) target_semaphore(%run_scoped3A_57 : memref<!tpu.dma_semaphore, #tpu.memory_space<semaphore_mem>>)
      %dma_wait3A_60 = tpu.memref_slice %arg7[%add3A_42] : memref<10240xi32, #tpu.memory_space<hbm>> -> memref<128xi32, #tpu.memory_space<hbm>>
      %dma_wait3A_61 = tpu.memref_slice %arg7[%add3A_42] : memref<10240xi32, #tpu.memory_space<hbm>> -> memref<128xi32, #tpu.memory_space<hbm>>
      tpu.wait_dma2 semaphore(%run_scoped3A_57 : memref<!tpu.dma_semaphore, #tpu.memory_space<semaphore_mem>>) src(%dma_wait3A_61 : memref<128xi32, #tpu.memory_space<hbm>>) dst(%arg9 : memref<128xi32, #tpu.memory_space<vmem>>)
      tpu.yield
    }) : () -> ()
    %dma_start3A_43 = arith.constant 0 : i32
    %dma_start3A_44 = arith.constant 0 : i32
    %dma_start3A_45 = tpu.memref_slice %arg13[%dma_start3A_43, %dma_start3A_44] : memref<10240x128xf32, #tpu.memory_space<vmem_shared>> -> memref<10240x128xf32, #tpu.memory_space<vmem_shared>>
    tpu.enqueue_indirect_dma source(%dma_start3A_45 : memref<10240x128xf32, #tpu.memory_space<vmem_shared>>) target(%arg11 : memref<128x128xf32, #tpu.memory_space<vmem>>) offsets(%arg9 : memref<128xi32, #tpu.memory_space<vmem>>) semaphore(%arg14 : memref<!tpu.dma_semaphore, #tpu.memory_space<semaphore_mem>>)
    %dma_wait3A_46 = arith.constant 0 : i32
    %dma_wait3A_47 = arith.constant 0 : i32
    %dma_wait3A_48 = tpu.memref_slice %arg13[%dma_wait3A_46, %dma_wait3A_47] : memref<10240x128xf32, #tpu.memory_space<vmem_shared>> -> memref<10240x128xf32, #tpu.memory_space<vmem_shared>>
    tpu.wait_indirect_dma semaphore(%arg14 : memref<!tpu.dma_semaphore, #tpu.memory_space<semaphore_mem>>) src(%dma_wait3A_48 : memref<10240x128xf32, #tpu.memory_space<vmem_shared>>) dst(%arg11 : memref<128x128xf32, #tpu.memory_space<vmem>>)
    "tpu.region"() ({
      %run_scoped3A_57 = tpu.sem_alloc : memref<!tpu.dma_semaphore, #tpu.memory_space<semaphore_mem>>
      %dma_start3A_58 = arith.constant 0 : i32
      %dma_start3A_59 = tpu.memref_slice %arg8[%arg0, %add3A_42, %dma_start3A_58] : memref<2x10240x128xf32, #tpu.memory_space<hbm>> -> memref<1x128x128xf32, #tpu.memory_space<hbm>>
      %dma_start3A_60 = tpu.memref_squeeze %dma_start3A_59 : memref<1x128x128xf32, #tpu.memory_space<hbm>> -> memref<128x128xf32, #tpu.memory_space<hbm>>
      %dma_start3A_61 = arith.constant 0 : i32
      %dma_start3A_62 = tpu.memref_slice %arg8[%arg0, %add3A_42, %dma_start3A_61] : memref<2x10240x128xf32, #tpu.memory_space<hbm>> -> memref<1x128x128xf32, #tpu.memory_space<hbm>>
      %dma_start3A_63 = tpu.memref_squeeze %dma_start3A_62 : memref<1x128x128xf32, #tpu.memory_space<hbm>> -> memref<128x128xf32, #tpu.memory_space<hbm>>
      tpu.enqueue_dma source(%arg11 : memref<128x128xf32, #tpu.memory_space<vmem>>) target(%dma_start3A_63 : memref<128x128xf32, #tpu.memory_space<hbm>>) target_semaphore(%run_scoped3A_57 : memref<!tpu.dma_semaphore, #tpu.memory_space<semaphore_mem>>)
      %dma_wait3A_64 = arith.constant 0 : i32
      %dma_wait3A_65 = tpu.memref_slice %arg8[%arg0, %add3A_42, %dma_wait3A_64] : memref<2x10240x128xf32, #tpu.memory_space<hbm>> -> memref<1x128x128xf32, #tpu.memory_space<hbm>>
      %dma_wait3A_66 = tpu.memref_squeeze %dma_wait3A_65 : memref<1x128x128xf32, #tpu.memory_space<hbm>> -> memref<128x128xf32, #tpu.memory_space<hbm>>
      %dma_wait3A_67 = arith.constant 0 : i32
      %dma_wait3A_68 = tpu.memref_slice %arg8[%arg0, %add3A_42, %dma_wait3A_67] : memref<2x10240x128xf32, #tpu.memory_space<hbm>> -> memref<1x128x128xf32, #tpu.memory_space<hbm>>
      %dma_wait3A_69 = tpu.memref_squeeze %dma_wait3A_68 : memref<1x128x128xf32, #tpu.memory_space<hbm>> -> memref<128x128xf32, #tpu.memory_space<hbm>>
      tpu.wait_dma2 semaphore(%run_scoped3A_57 : memref<!tpu.dma_semaphore, #tpu.memory_space<semaphore_mem>>) src(%arg11 : memref<128x128xf32, #tpu.memory_space<vmem>>) dst(%dma_wait3A_69 : memref<128x128xf32, #tpu.memory_space<hbm>>)
      tpu.yield
    }) : () -> ()
    %add3A_49 = arith.constant 512 : i32
    %add3A_50 = arith.addi %mul3A_2, %add3A_49 : i32
    "tpu.region"() ({
      %run_scoped3A_57 = tpu.sem_alloc : memref<!tpu.dma_semaphore, #tpu.memory_space<semaphore_mem>>
      %dma_start3A_58 = tpu.memref_slice %arg7[%add3A_50] : memref<10240xi32, #tpu.memory_space<hbm>> -> memref<128xi32, #tpu.memory_space<hbm>>
      %dma_start3A_59 = tpu.memref_slice %arg7[%add3A_50] : memref<10240xi32, #tpu.memory_space<hbm>> -> memref<128xi32, #tpu.memory_space<hbm>>
      tpu.enqueue_dma source(%dma_start3A_59 : memref<128xi32, #tpu.memory_space<hbm>>) target(%arg9 : memref<128xi32, #tpu.memory_space<vmem>>) target_semaphore(%run_scoped3A_57 : memref<!tpu.dma_semaphore, #tpu.memory_space<semaphore_mem>>)
      %dma_wait3A_60 = tpu.memref_slice %arg7[%add3A_50] : memref<10240xi32, #tpu.memory_space<hbm>> -> memref<128xi32, #tpu.memory_space<hbm>>
      %dma_wait3A_61 = tpu.memref_slice %arg7[%add3A_50] : memref<10240xi32, #tpu.memory_space<hbm>> -> memref<128xi32, #tpu.memory_space<hbm>>
      tpu.wait_dma2 semaphore(%run_scoped3A_57 : memref<!tpu.dma_semaphore, #tpu.memory_space<semaphore_mem>>) src(%dma_wait3A_61 : memref<128xi32, #tpu.memory_space<hbm>>) dst(%arg9 : memref<128xi32, #tpu.memory_space<vmem>>)
      tpu.yield
    }) : () -> ()
    %dma_start3A_51 = arith.constant 0 : i32
    %dma_start3A_52 = arith.constant 0 : i32
    %dma_start3A_53 = tpu.memref_slice %arg13[%dma_start3A_51, %dma_start3A_52] : memref<10240x128xf32, #tpu.memory_space<vmem_shared>> -> memref<10240x128xf32, #tpu.memory_space<vmem_shared>>
    tpu.enqueue_indirect_dma source(%dma_start3A_53 : memref<10240x128xf32, #tpu.memory_space<vmem_shared>>) target(%arg11 : memref<128x128xf32, #tpu.memory_space<vmem>>) offsets(%arg9 : memref<128xi32, #tpu.memory_space<vmem>>) semaphore(%arg14 : memref<!tpu.dma_semaphore, #tpu.memory_space<semaphore_mem>>)
    %dma_wait3A_54 = arith.constant 0 : i32
    %dma_wait3A_55 = arith.constant 0 : i32
    %dma_wait3A_56 = tpu.memref_slice %arg13[%dma_wait3A_54, %dma_wait3A_55] : memref<10240x128xf32, #tpu.memory_space<vmem_shared>> -> memref<10240x128xf32, #tpu.memory_space<vmem_shared>>
    tpu.wait_indirect_dma semaphore(%arg14 : memref<!tpu.dma_semaphore, #tpu.memory_space<semaphore_mem>>) src(%dma_wait3A_56 : memref<10240x128xf32, #tpu.memory_space<vmem_shared>>) dst(%arg11 : memref<128x128xf32, #tpu.memory_space<vmem>>)
    "tpu.region"() ({
      %run_scoped3A_57 = tpu.sem_alloc : memref<!tpu.dma_semaphore, #tpu.memory_space<semaphore_mem>>
      %dma_start3A_58 = arith.constant 0 : i32
      %dma_start3A_59 = tpu.memref_slice %arg8[%arg0, %add3A_50, %dma_start3A_58] : memref<2x10240x128xf32, #tpu.memory_space<hbm>> -> memref<1x128x128xf32, #tpu.memory_space<hbm>>
      %dma_start3A_60 = tpu.memref_squeeze %dma_start3A_59 : memref<1x128x128xf32, #tpu.memory_space<hbm>> -> memref<128x128xf32, #tpu.memory_space<hbm>>
      %dma_start3A_61 = arith.constant 0 : i32
      %dma_start3A_62 = tpu.memref_slice %arg8[%arg0, %add3A_50, %dma_start3A_61] : memref<2x10240x128xf32, #tpu.memory_space<hbm>> -> memref<1x128x128xf32, #tpu.memory_space<hbm>>
      %dma_start3A_63 = tpu.memref_squeeze %dma_start3A_62 : memref<1x128x128xf32, #tpu.memory_space<hbm>> -> memref<128x128xf32, #tpu.memory_space<hbm>>
      tpu.enqueue_dma source(%arg11 : memref<128x128xf32, #tpu.memory_space<vmem>>) target(%dma_start3A_63 : memref<128x128xf32, #tpu.memory_space<hbm>>) target_semaphore(%run_scoped3A_57 : memref<!tpu.dma_semaphore, #tpu.memory_space<semaphore_mem>>)
      %dma_wait3A_64 = arith.constant 0 : i32
      %dma_wait3A_65 = tpu.memref_slice %arg8[%arg0, %add3A_50, %dma_wait3A_64] : memref<2x10240x128xf32, #tpu.memory_space<hbm>> -> memref<1x128x128xf32, #tpu.memory_space<hbm>>
      %dma_wait3A_66 = tpu.memref_squeeze %dma_wait3A_65 : memref<1x128x128xf32, #tpu.memory_space<hbm>> -> memref<128x128xf32, #tpu.memory_space<hbm>>
      %dma_wait3A_67 = arith.constant 0 : i32
      %dma_wait3A_68 = tpu.memref_slice %arg8[%arg0, %add3A_50, %dma_wait3A_67] : memref<2x10240x128xf32, #tpu.memory_space<hbm>> -> memref<1x128x128xf32, #tpu.memory_space<hbm>>
      %dma_wait3A_69 = tpu.memref_squeeze %dma_wait3A_68 : memref<1x128x128xf32, #tpu.memory_space<hbm>> -> memref<128x128xf32, #tpu.memory_space<hbm>>
      tpu.wait_dma2 semaphore(%run_scoped3A_57 : memref<!tpu.dma_semaphore, #tpu.memory_space<semaphore_mem>>) src(%arg11 : memref<128x128xf32, #tpu.memory_space<vmem>>) dst(%dma_wait3A_69 : memref<128x128xf32, #tpu.memory_space<hbm>>)
      tpu.yield
    }) : () -> ()
    return
  }
}

module attributes {stable_mosaic.version = 14 : i64} {
  func.func @_dense_body(%arg0: i32, %arg1: memref<2x512x128xf32, #tpu.memory_space<vmem>>, %arg2: memref<2x512x1xf32, #tpu.memory_space<vmem>>, %arg3: memref<512x128xf32, #tpu.memory_space<vmem>>, %arg4: memref<128x128xf32, #tpu.memory_space<vmem>>, %arg5: memref<128x128xf32, #tpu.memory_space<vmem>>, %arg6: memref<1x128xf32, #tpu.memory_space<vmem>>, %arg7: memref<512x128xf32, #tpu.memory_space<vmem>>) attributes {dimension_semantics = [#tpu.dimension_semantics<arbitrary>], iteration_bounds = array<i64: 20>, scalar_prefetch = 0 : i64, scratch_operands = 0 : i64, tpu.core_type = #tpu.core_type<tc>, window_params = [{transform_indices = @transform_0, window_bounds = array<i64: 2, 512, 128>}, {transform_indices = @transform_1, window_bounds = array<i64: 2, 512, 1>}, {transform_indices = @transform_2, window_bounds = array<i64: 512, 128>}, {pipeline_mode = #tpu.pipeline_mode<synchronous>, transform_indices = @transform_3, window_bounds = array<i64: 128, 128>}, {pipeline_mode = #tpu.pipeline_mode<synchronous>, transform_indices = @transform_4, window_bounds = array<i64: 128, 128>}, {pipeline_mode = #tpu.pipeline_mode<synchronous>, transform_indices = @transform_5, window_bounds = array<i64: 1, 128>}, {transform_indices = @transform_6, window_bounds = array<i64: 512, 128>}]} {
    %get3A = arith.constant 0 : index
    %get3A_0 = arith.constant 0 : index
    %get3A_1 = arith.constant 0 : index
    %get3A_2 = vector.load %arg1[%get3A, %get3A_0, %get3A_1] : memref<2x512x128xf32, #tpu.memory_space<vmem>>, vector<1x512x128xf32>
    %get3A_3 = vector.shape_cast %get3A_2 : vector<1x512x128xf32> to vector<512x128xf32>
    %get3A_4 = arith.constant 1 : index
    %get3A_5 = arith.constant 0 : index
    %get3A_6 = arith.constant 0 : index
    %get3A_7 = vector.load %arg1[%get3A_4, %get3A_5, %get3A_6] : memref<2x512x128xf32, #tpu.memory_space<vmem>>, vector<1x512x128xf32>
    %get3A_8 = vector.shape_cast %get3A_7 : vector<1x512x128xf32> to vector<512x128xf32>
    %add3A = arith.addf %get3A_3, %get3A_8 : vector<512x128xf32>
    %get3A_9 = arith.constant 0 : index
    %get3A_10 = arith.constant 0 : index
    %get3A_11 = arith.constant 0 : index
    %get3A_12 = vector.load %arg2[%get3A_9, %get3A_10, %get3A_11] : memref<2x512x1xf32, #tpu.memory_space<vmem>>, vector<1x512x1xf32>
    %get3A_13 = vector.shape_cast %get3A_12 : vector<1x512x1xf32> to vector<512x1xf32>
    %get3A_14 = arith.constant 1 : index
    %get3A_15 = arith.constant 0 : index
    %get3A_16 = arith.constant 0 : index
    %get3A_17 = vector.load %arg2[%get3A_14, %get3A_15, %get3A_16] : memref<2x512x1xf32, #tpu.memory_space<vmem>>, vector<1x512x1xf32>
    %get3A_18 = vector.shape_cast %get3A_17 : vector<1x512x1xf32> to vector<512x1xf32>
    %add3A_19 = arith.addf %get3A_13, %get3A_18 : vector<512x1xf32>
    %max3A = arith.constant 1.000000e+00 : f32
    %max3A_20 = vector.broadcast %max3A : f32 to vector<512x1xf32>
    %max3A_21 = arith.maximumf %add3A_19, %max3A_20 : vector<512x1xf32>
    %div3A = arith.constant 1.000000e+00 : f32
    %div3A_22 = vector.broadcast %div3A : f32 to vector<512x1xf32>
    %div3A_23 = arith.divf %div3A_22, %max3A_21 : vector<512x1xf32>
    %mul3A = vector.broadcast %div3A_23 : vector<512x1xf32> to vector<512x128xf32>
    %mul3A_24 = arith.mulf %add3A, %mul3A : vector<512x128xf32>
    %get3A_25 = arith.constant 0 : index
    %get3A_26 = arith.constant 0 : index
    %get3A_27 = vector.load %arg4[%get3A_25, %get3A_26] : memref<128x128xf32, #tpu.memory_space<vmem>>, vector<128x128xf32>
    %dot_general3A = arith.constant dense<0.000000e+00> : vector<512x128xf32>
    %dot_general3A_28 = tpu.matmul %mul3A_24, %get3A_27, %dot_general3A {dimension_numbers = #tpu.dot_dimension_numbers<[1], [0], [0], [1], [0, 0, 1, 1], [], []>, transpose_lhs_hint = false} : vector<512x128xf32>, vector<128x128xf32>, vector<512x128xf32> -> vector<512x128xf32>
    %get3A_29 = arith.constant 0 : index
    %get3A_30 = arith.constant 0 : index
    %get3A_31 = vector.load %arg3[%get3A_29, %get3A_30] : memref<512x128xf32, #tpu.memory_space<vmem>>, vector<512x128xf32>
    %get3A_32 = arith.constant 0 : index
    %get3A_33 = arith.constant 0 : index
    %get3A_34 = vector.load %arg5[%get3A_32, %get3A_33] : memref<128x128xf32, #tpu.memory_space<vmem>>, vector<128x128xf32>
    %dot_general3A_35 = arith.constant dense<0.000000e+00> : vector<512x128xf32>
    %dot_general3A_36 = tpu.matmul %get3A_31, %get3A_34, %dot_general3A_35 {dimension_numbers = #tpu.dot_dimension_numbers<[1], [0], [0], [1], [0, 0, 1, 1], [], []>, transpose_lhs_hint = false} : vector<512x128xf32>, vector<128x128xf32>, vector<512x128xf32> -> vector<512x128xf32>
    %add3A_37 = arith.addf %dot_general3A_28, %dot_general3A_36 : vector<512x128xf32>
    %get3A_38 = arith.constant 0 : index
    %get3A_39 = arith.constant 0 : index
    %get3A_40 = vector.load %arg6[%get3A_38, %get3A_39] : memref<1x128xf32, #tpu.memory_space<vmem>>, vector<1x128xf32>
    %add3A_41 = vector.broadcast %get3A_40 : vector<1x128xf32> to vector<512x128xf32>
    %add3A_42 = arith.addf %add3A_37, %add3A_41 : vector<512x128xf32>
    %max3A_43 = arith.constant 0.000000e+00 : f32
    %max3A_44 = vector.broadcast %max3A_43 : f32 to vector<512x128xf32>
    %max3A_45 = arith.maximumf %add3A_42, %max3A_44 : vector<512x128xf32>
    %swap3A = arith.constant 0 : index
    %swap3A_46 = arith.constant 0 : index
    %swap3A_47 = vector.load %arg7[%swap3A, %swap3A_46] : memref<512x128xf32, #tpu.memory_space<vmem>>, vector<512x128xf32>
    tpu.vector_store %arg7[%swap3A, %swap3A_46], %max3A_45 {strides = array<i32>} : memref<512x128xf32, #tpu.memory_space<vmem>>, vector<512x128xf32>,
    return
  }
  func.func @transform_0(%arg0: i32) -> (i32, i32, i32) {
    %c0_i32 = arith.constant 0 : i32
    %c0_i32_0 = arith.constant 0 : i32
    %c0_i32_1 = arith.constant 0 : i32
    return %c0_i32, %arg0, %c0_i32_0 : i32, i32, i32
  }
  func.func @transform_1(%arg0: i32) -> (i32, i32, i32) {
    %c0_i32 = arith.constant 0 : i32
    %c0_i32_0 = arith.constant 0 : i32
    %c0_i32_1 = arith.constant 0 : i32
    return %c0_i32, %arg0, %c0_i32_0 : i32, i32, i32
  }
  func.func @transform_2(%arg0: i32) -> (i32, i32) {
    %c0_i32 = arith.constant 0 : i32
    %c0_i32_0 = arith.constant 0 : i32
    return %arg0, %c0_i32 : i32, i32
  }
  func.func @transform_3(%arg0: i32) -> (i32, i32) {
    %c0_i32 = arith.constant 0 : i32
    %c0_i32_0 = arith.constant 0 : i32
    %c0_i32_1 = arith.constant 0 : i32
    return %c0_i32, %c0_i32_0 : i32, i32
  }
  func.func @transform_4(%arg0: i32) -> (i32, i32) {
    %c0_i32 = arith.constant 0 : i32
    %c0_i32_0 = arith.constant 0 : i32
    %c0_i32_1 = arith.constant 0 : i32
    return %c0_i32, %c0_i32_0 : i32, i32
  }
  func.func @transform_5(%arg0: i32) -> (i32, i32) {
    %c0_i32 = arith.constant 0 : i32
    %c0_i32_0 = arith.constant 0 : i32
    %c0_i32_1 = arith.constant 0 : i32
    return %c0_i32, %c0_i32_0 : i32, i32
  }
  func.func @transform_6(%arg0: i32) -> (i32, i32) {
    %c0_i32 = arith.constant 0 : i32
    %c0_i32_0 = arith.constant 0 : i32
    return %arg0, %c0_i32 : i32, i32
  }
}

module attributes {stable_mosaic.version = 14 : i64} {
  func.func @_dense_body(%arg0: i32, %arg1: memref<2x512x128xf32, #tpu.memory_space<vmem>>, %arg2: memref<2x512x1xf32, #tpu.memory_space<vmem>>, %arg3: memref<512x128xf32, #tpu.memory_space<vmem>>, %arg4: memref<128x128xf32, #tpu.memory_space<vmem>>, %arg5: memref<128x128xf32, #tpu.memory_space<vmem>>, %arg6: memref<1x128xf32, #tpu.memory_space<vmem>>, %arg7: memref<512x128xf32, #tpu.memory_space<vmem>>) attributes {dimension_semantics = [#tpu.dimension_semantics<arbitrary>], iteration_bounds = array<i64: 20>, scalar_prefetch = 0 : i64, scratch_operands = 0 : i64, tpu.core_type = #tpu.core_type<tc>, window_params = [{transform_indices = @transform_0, window_bounds = array<i64: 2, 512, 128>}, {transform_indices = @transform_1, window_bounds = array<i64: 2, 512, 1>}, {transform_indices = @transform_2, window_bounds = array<i64: 512, 128>}, {pipeline_mode = #tpu.pipeline_mode<synchronous>, transform_indices = @transform_3, window_bounds = array<i64: 128, 128>}, {pipeline_mode = #tpu.pipeline_mode<synchronous>, transform_indices = @transform_4, window_bounds = array<i64: 128, 128>}, {pipeline_mode = #tpu.pipeline_mode<synchronous>, transform_indices = @transform_5, window_bounds = array<i64: 1, 128>}, {transform_indices = @transform_6, window_bounds = array<i64: 512, 128>}]} {
    %get3A = arith.constant 0 : index
    %get3A_0 = arith.constant 0 : index
    %get3A_1 = arith.constant 0 : index
    %get3A_2 = vector.load %arg1[%get3A, %get3A_0, %get3A_1] : memref<2x512x128xf32, #tpu.memory_space<vmem>>, vector<1x512x128xf32>
    %get3A_3 = vector.shape_cast %get3A_2 : vector<1x512x128xf32> to vector<512x128xf32>
    %get3A_4 = arith.constant 1 : index
    %get3A_5 = arith.constant 0 : index
    %get3A_6 = arith.constant 0 : index
    %get3A_7 = vector.load %arg1[%get3A_4, %get3A_5, %get3A_6] : memref<2x512x128xf32, #tpu.memory_space<vmem>>, vector<1x512x128xf32>
    %get3A_8 = vector.shape_cast %get3A_7 : vector<1x512x128xf32> to vector<512x128xf32>
    %add3A = arith.addf %get3A_3, %get3A_8 : vector<512x128xf32>
    %get3A_9 = arith.constant 0 : index
    %get3A_10 = arith.constant 0 : index
    %get3A_11 = arith.constant 0 : index
    %get3A_12 = vector.load %arg2[%get3A_9, %get3A_10, %get3A_11] : memref<2x512x1xf32, #tpu.memory_space<vmem>>, vector<1x512x1xf32>
    %get3A_13 = vector.shape_cast %get3A_12 : vector<1x512x1xf32> to vector<512x1xf32>
    %get3A_14 = arith.constant 1 : index
    %get3A_15 = arith.constant 0 : index
    %get3A_16 = arith.constant 0 : index
    %get3A_17 = vector.load %arg2[%get3A_14, %get3A_15, %get3A_16] : memref<2x512x1xf32, #tpu.memory_space<vmem>>, vector<1x512x1xf32>
    %get3A_18 = vector.shape_cast %get3A_17 : vector<1x512x1xf32> to vector<512x1xf32>
    %add3A_19 = arith.addf %get3A_13, %get3A_18 : vector<512x1xf32>
    %max3A = arith.constant 1.000000e+00 : f32
    %max3A_20 = vector.broadcast %max3A : f32 to vector<512x1xf32>
    %max3A_21 = arith.maximumf %add3A_19, %max3A_20 : vector<512x1xf32>
    %div3A = arith.constant 1.000000e+00 : f32
    %div3A_22 = vector.broadcast %div3A : f32 to vector<512x1xf32>
    %div3A_23 = arith.divf %div3A_22, %max3A_21 : vector<512x1xf32>
    %mul3A = vector.broadcast %div3A_23 : vector<512x1xf32> to vector<512x128xf32>
    %mul3A_24 = arith.mulf %add3A, %mul3A : vector<512x128xf32>
    %get3A_25 = arith.constant 0 : index
    %get3A_26 = arith.constant 0 : index
    %get3A_27 = vector.load %arg4[%get3A_25, %get3A_26] : memref<128x128xf32, #tpu.memory_space<vmem>>, vector<128x128xf32>
    %dot_general3A = arith.constant dense<0.000000e+00> : vector<512x128xf32>
    %dot_general3A_28 = tpu.matmul %mul3A_24, %get3A_27, %dot_general3A {dimension_numbers = #tpu.dot_dimension_numbers<[1], [0], [0], [1], [0, 0, 1, 1], [], []>, transpose_lhs_hint = false} : vector<512x128xf32>, vector<128x128xf32>, vector<512x128xf32> -> vector<512x128xf32>
    %get3A_29 = arith.constant 0 : index
    %get3A_30 = arith.constant 0 : index
    %get3A_31 = vector.load %arg3[%get3A_29, %get3A_30] : memref<512x128xf32, #tpu.memory_space<vmem>>, vector<512x128xf32>
    %get3A_32 = arith.constant 0 : index
    %get3A_33 = arith.constant 0 : index
    %get3A_34 = vector.load %arg5[%get3A_32, %get3A_33] : memref<128x128xf32, #tpu.memory_space<vmem>>, vector<128x128xf32>
    %dot_general3A_35 = arith.constant dense<0.000000e+00> : vector<512x128xf32>
    %dot_general3A_36 = tpu.matmul %get3A_31, %get3A_34, %dot_general3A_35 {dimension_numbers = #tpu.dot_dimension_numbers<[1], [0], [0], [1], [0, 0, 1, 1], [], []>, transpose_lhs_hint = false} : vector<512x128xf32>, vector<128x128xf32>, vector<512x128xf32> -> vector<512x128xf32>
    %add3A_37 = arith.addf %dot_general3A_28, %dot_general3A_36 : vector<512x128xf32>
    %get3A_38 = arith.constant 0 : index
    %get3A_39 = arith.constant 0 : index
    %get3A_40 = vector.load %arg6[%get3A_38, %get3A_39] : memref<1x128xf32, #tpu.memory_space<vmem>>, vector<1x128xf32>
    %add3A_41 = vector.broadcast %get3A_40 : vector<1x128xf32> to vector<512x128xf32>
    %add3A_42 = arith.addf %add3A_37, %add3A_41 : vector<512x128xf32>
    %swap3A = arith.constant 0 : index
    %swap3A_43 = arith.constant 0 : index
    %swap3A_44 = vector.load %arg7[%swap3A, %swap3A_43] : memref<512x128xf32, #tpu.memory_space<vmem>>, vector<512x128xf32>
    tpu.vector_store %arg7[%swap3A, %swap3A_43], %add3A_42 {strides = array<i32>} : memref<512x128xf32, #tpu.memory_space<vmem>>, vector<512x128xf32>,
    return
  }
  func.func @transform_0(%arg0: i32) -> (i32, i32, i32) {
    %c0_i32 = arith.constant 0 : i32
    %c0_i32_0 = arith.constant 0 : i32
    %c0_i32_1 = arith.constant 0 : i32
    return %c0_i32, %arg0, %c0_i32_0 : i32, i32, i32
  }
  func.func @transform_1(%arg0: i32) -> (i32, i32, i32) {
    %c0_i32 = arith.constant 0 : i32
    %c0_i32_0 = arith.constant 0 : i32
    %c0_i32_1 = arith.constant 0 : i32
    return %c0_i32, %arg0, %c0_i32_0 : i32, i32, i32
  }
  func.func @transform_2(%arg0: i32) -> (i32, i32) {
    %c0_i32 = arith.constant 0 : i32
    %c0_i32_0 = arith.constant 0 : i32
    return %arg0, %c0_i32 : i32, i32
  }
  func.func @transform_3(%arg0: i32) -> (i32, i32) {
    %c0_i32 = arith.constant 0 : i32
    %c0_i32_0 = arith.constant 0 : i32
    %c0_i32_1 = arith.constant 0 : i32
    return %c0_i32, %c0_i32_0 : i32, i32
  }
  func.func @transform_4(%arg0: i32) -> (i32, i32) {
    %c0_i32 = arith.constant 0 : i32
    %c0_i32_0 = arith.constant 0 : i32
    %c0_i32_1 = arith.constant 0 : i32
    return %c0_i32, %c0_i32_0 : i32, i32
  }
  func.func @transform_5(%arg0: i32) -> (i32, i32) {
    %c0_i32 = arith.constant 0 : i32
    %c0_i32_0 = arith.constant 0 : i32
    %c0_i32_1 = arith.constant 0 : i32
    return %c0_i32, %c0_i32_0 : i32, i32
  }
  func.func @transform_6(%arg0: i32) -> (i32, i32) {
    %c0_i32 = arith.constant 0 : i32
    %c0_i32_0 = arith.constant 0 : i32
    return %arg0, %c0_i32 : i32, i32
  }
}

</mosaic_0001>

<sc_bundles>
// kernel: kernel.6.cloned.1.call-start
scs
__scs_entry_jumppad:
0x0: {  	(pc) =	sbr.rel $0x88, $3  }
0x1: {  	(tag) =	ssettag $0x0;
	lr =	simm.s32 $0x1  }
0x2: {  	[smem:$0x3F99] =	sst lr;
	_ =	strace $0xD0000000  }
0x3: {  	_ = 	snop  }
0x4: {  	_ = 	snop  }
0x5: {  	_ = 	snop  }
0x6: {  	_ = 	snop  }
0x7: {  	_ = 	snop  }
__scs_overlays_trampoline_lowered:
0x8: {  	[smem:$0x3FA8] =	sst s0  }
0x9: {  	[smem:$0x3FA9] =	sst s1  }
0xa: {  	[smem:$0x3FAA] =	sst s2  }
0xb: {  	[smem:$0x3FAB] =	sst s3  }
0xc: {  	[smem:$0x3FAC] =	sst s4  }
0xd: {  	[smem:$0x3FAD] =	sst s5  }
0xe: {  	[smem:$0x3FAE] =	sst s6  }
0xf: {  	[smem:$0x3FAF] =	sst s7  }
0x10: {  	[smem:$0x3FB0] =	sst s8  }
0x11: {  	[smem:$0x3FB1] =	sst s9;
	s0 =	simm.s32 @!p0 $0x0  }
0x12: {  	s1 =	sld [smem:$0x3F97];
	s0 =	simm.s32 @p0 $0x1  }
0x13: {  	[smem:$0x3FB2] =	sst s0;
	s0 =	simm.s32 @!p1 $0x0  }
0x14: {  	s2 =	sld [smem:$0x3F96];
	s0 =	simm.s32 @p1 $0x1  }
0x15: {  	[smem:$0x3FB3] =	sst s0;
	s0 =	simm.s32 @!p2 $0x0  }
0x16: {  	s3 =	sld [smem:$0x3FDB];
	s0 =	simm.s32 @p2 $0x1  }
0x17: {  	s4 =	simm.s32 $0x1BF5;
	[smem:$0x3FB5] =	sst s0  }
0x18: {  	s0 =	sld [smem:$0x3F98];
	_ =	swait.ge [sflag:s4], $0x0  }
0x19: {  	s7 =	sld [smem:$0x3F99]  }
0x1a: {  	s8 =	sadd.s32 $0xFFFFE003, lr  }
0x1b: {  	s9 =	sadd.s32 $0xFFFFFEF7, lr;
	s5 =	simm.s32 $0xFFFFFFFF;
	p2 =	slt.u32 s8, $0xFFFFF086  }
0x1c: {  	p1 =	slt.u32 s9, $0xF7A;
	s5 =	simm.s32 @!p2 $0x0  }
0x1d: {  	s5 =	simm.s32 @p1 $0x1;
	p0 =	seq.s32 s7, s2  }
0x1e: {  	s7 =	smul.u32 @!p0 $0xF7A, s2;
	p2 =	seq.s32 @!p0 s5, $0x0  }
0x1f: {  	s9 =	smul.u32 $0xF7A, s1;
	s8 =	simm.s32 @!p0 $0x1BF5;
	p2 =	por !p2, p0  }
0x20: {  	[sflag:s8] =	ssyncset.s32 @!p0 $0xFFFFF086;
	s6 =	sadd.s32 @!p0 s3, s7;
	s7 =	simm.s32 @!p0 $0x108  }
0x21: {  	s3 =	sadd.s32 s3, s9;
	s6 =	sadd.s32 @!p0 $0x88, s6;
	s7 =	simm.s32 @p2 $0x1082  }
0x22: {  	[simem:s7], [sflag:s8] =	dma.local @!p0 [hbm:s6], $0xF7A  }
0x23: {  	s9 =	sor.u32 $0xD0000000, s2;
	s6 =	simm.s32 $0x108;
	_ =	swait.ge @!p0 [sflag:s8], $0x0  }
0x24: {  	s3 =	sadd.s32 $0x88, s3;
	s6 =	simm.s32 @!p1 $0x1082;
	[sflag:s4] =	ssyncset.s32 $0xFFFFF086  }
0x25: {  	[simem:s6], [sflag:s4] =	dma.local [hbm:s3], $0xF7A  }
0x26: {  	[smem:$0x3F99] =	sst s1;
	(tag) =	ssettag s2;
	_ =	strace s9  }
0x27: {  	s1 =	sld [smem:$0x3FA9]  }
0x28: {  	s2 =	sld [smem:$0x3FAA]  }
0x29: {  	s4 =	sld [smem:$0x3FAC]  }
0x2a: {  	p0 =	seq.s32 s5, $0x0;
	s5 =	sld [smem:$0x3FAD]  }
0x2b: {  	s6 =	sld [smem:$0x3FAE]  }
0x2c: {  	s7 =	sld [smem:$0x3FAF]  }
0x2d: {  	s3 =	simm.s32 $0x108;
	s8 =	sld [smem:$0x3FB0]  }
0x2e: {  	s3 =	simm.s32 @!p0 $0x1082;
	s9 =	sld [smem:$0x3FB1]  }
0x2f: {  	lr =	sadd.s32 s0, s3;
	s0 =	sld [smem:$0x3FA8]  }
0x30: {  	s3 =	sld [smem:$0x3FAB]  }
0x31: {  	[smem:$0x3FB4] =	sst s10  }
0x32: {  	s10 =	sld [smem:$0x3FB2];
	_ =	sdelay $0x3  }
0x33: {  	p0 =	seq.s32 s10, $0x1;
	s10 =	sld [smem:$0x3FB4];
	_ =	sdelay $0x3  }
0x34: {  	[smem:$0x3FB4] =	sst s10  }
0x35: {  	s10 =	sld [smem:$0x3FB3];
	_ =	sdelay $0x3  }
0x36: {  	p1 =	seq.s32 s10, $0x1;
	s10 =	sld [smem:$0x3FB4];
	_ =	sdelay $0x3  }
0x37: {  	[smem:$0x3FB4] =	sst s10  }
0x38: {  	s10 =	sld [smem:$0x3FB5]  }
0x39: {  	_ = 	snop;
	(pc) =	sbr.ind lr, $3  }
0x3a: {  	_ = 	snop  }
0x3b: {  	_ = 	snop  }
0x3c: {  	p2 =	seq.s32 s10, $0x1;
	s10 =	sld [smem:$0x3FB4]  }
0x3d: {  	_ =	shalt  }
0x3e: {  	_ =	shalt  }
0x3f: {  	_ =	shalt  }
0x40: {  	_ =	shalt  }
0x41: {  	_ =	shalt  }
0x42: {  	_ =	shalt  }
0x43: {  	_ =	shalt  }
0x44: {  	_ =	shalt  }
0x45: {  	_ =	shalt  }
0x46: {  	_ =	shalt  }
0x47: {  	_ =	shalt  }
0x48: {  	_ =	shalt  }
0x49: {  	_ =	shalt  }
0x4a: {  	_ =	shalt  }
0x4b: {  	_ =	shalt  }
0x4c: {  	_ =	shalt  }
0x4d: {  	_ =	shalt  }
0x4e: {  	_ =	shalt  }
0x4f: {  	_ =	shalt  }
0x50: {  	_ =	shalt  }
0x51: {  	_ =	shalt  }
0x52: {  	_ =	shalt  }
0x53: {  	_ =	shalt  }
0x54: {  	_ =	shalt  }
0x55: {  	_ =	shalt  }
0x56: {  	_ =	shalt  }
0x57: {  	_ =	shalt  }
0x58: {  	_ =	shalt  }
0x59: {  	_ =	shalt  }
0x5a: {  	_ =	shalt  }
0x5b: {  	_ =	shalt  }
0x5c: {  	_ =	shalt  }
0x5d: {  	_ =	shalt  }
0x5e: {  	_ =	shalt  }
0x5f: {  	_ =	shalt  }
0x60: {  	_ =	shalt  }
0x61: {  	_ =	shalt  }
0x62: {  	_ =	shalt  }
0x63: {  	_ =	shalt  }
0x64: {  	_ =	shalt  }
0x65: {  	_ =	shalt  }
0x66: {  	_ =	shalt  }
0x67: {  	_ =	shalt  }
0x68: {  	_ =	shalt  }
0x69: {  	_ =	shalt  }
0x6a: {  	_ =	shalt  }
0x6b: {  	_ =	shalt  }
0x6c: {  	_ =	shalt  }
0x6d: {  	_ =	shalt  }
0x6e: {  	_ =	shalt  }
0x6f: {  	_ =	shalt  }
0x70: {  	_ =	shalt  }
0x71: {  	_ =	shalt  }
0x72: {  	_ =	shalt  }
0x73: {  	_ =	shalt  }
0x74: {  	_ =	shalt  }
0x75: {  	_ =	shalt  }
0x76: {  	_ =	shalt  }
0x77: {  	_ =	shalt  }
0x78: {  	_ =	shalt  }
0x79: {  	_ =	shalt  }
0x7a: {  	_ =	shalt  }
0x7b: {  	_ =	shalt  }
0x7c: {  	_ =	shalt  }
0x7d: {  	_ =	shalt  }
0x7e: {  	_ =	shalt  }
0x7f: {  	_ =	shalt  }
0x80: {  	_ =	shalt  }
0x81: {  	_ =	shalt  }
0x82: {  	_ =	shalt  }
0x83: {  	_ =	shalt  }
0x84: {  	_ =	shalt  }
0x85: {  	_ =	shalt  }
0x86: {  	_ =	shalt  }
0x87: {  	_ =	shalt  }
.Lfunc_end0:
.L_simem_size_0:
called_computation_lowered:
.L_overlay_start_0:
0x88: {  	s2 =	sld [smem:$0x3FD9]  }
0x89: {  	s3 =	sld [smem:$0x3FFE];
	_ =	sdelay $0x1  }
0x8a: {  	s1 =	srdreg.scid  }
0x8b: {  	s0 =	sand.u32 $0x1, s1  }
0x8c: {  	s17 =	sshll.u32 s0, $0xA;
	s2 =	sadd.s32 s3, s2  }
0x8d: {  	s2 =	sadd.s32 s2, s17  }
0x8e: {  	[smem:$0x3FC0] =	sst s2  }
0x8f: {  	_ = 	snop  }
0x90: {  	s2 =	sld [smem:$0x3FD0];
	(tm) =	ssettm $0x1  }
0x91: {  	s18 =	sld [smem:$0x3FFB];
	_ =	sdelay $0x3  }
0x92: {  	_ =	strace s18  }
0x93: {  	s3 =	sld [smem:$0x3FFC];
	_ =	sdelay $0x3  }
0x94: {  	_ =	strace s3  }
0x95: {  	s3 =	sld [smem:$0x3FFD];
	_ =	sdelay $0x3  }
0x96: {  	_ =	strace s3  }
0x97: {  	_ =	strace $0x8FFFFFFF  }
0x98: {  	s19 =	sld [smem:$0x3FDB];
	_ =	sdelay $0x1  }
0x99: {  	s4 =	simm.s32 $_scs_section_size  }
0x9a: {  	s5 =	simm.s32 $_size__tile_overlayer_lowered;
	s6 =	simm.s32 $_tile_overlayer_lowered  }
0x9b: {  	s22 =	simm.s32 $0x1BFF;
	s21 =	sshll.u32 s6, $0x1;
	s3 =	sadd.s32 s4, s19  }
0x9c: {  	s7 =	simm.s32 $0x0;
	s20 =	sshll.u32 s5, $0x1;
	s5 =	sadd.s32 s21, s3  }
0x9d: {  	[timem:s7], [sflag:s22] =	dma.local [hbm:s5], s20  }
0x9e: {  	_ =	swait.ge [sflag:s22], s20  }
0x9f: {  	s4 =	ssub.s32 $0x0, s20;
	[sflag:s22] =	ssyncset.done $0x0  }
0xa0: {  	[sflag:s22] =	ssyncadd.s32 s4;
	_ =	sdelay $0x1  }
0xa1: {  	s23 =	simm.s32 $0x1B8B  }
0xa2: {  	_ =	swait.ge [sflag:s23], $0x1  }
0xa3: {  	[sflag:s23] =	ssyncset.done $0x0  }
0xa4: {  	s25 =	simm.s32 $0x1B8E;
	s24 =	sld [smem:$0x3FFE];
	[sflag:s23] =	ssyncadd.s32 $0xFFFFFFFF  }
0xa5: {  	s26 =	simm.s32 $execute0_lowered;
	[smem:$0x3FD2] =	sst s25  }
0xa6: {  	s5 =	sshll.u32 s26, $0x1;
	_ =	strace $0x80000046;
	[dreg:$0x1] =	wrdreg $0xFFFFFFFF  }
0xa7: {  	s28 =	simm.s32 $_size_execute0_lowered;
	s3 =	sadd.s32 s3, s5;
	[dreg:$0x0] =	wrdreg $0x0  }
0xa8: {  	s5 =	sshll.u32 s28, $0x1;
	[dreg:$0x2] =	wrdreg s3  }
0xa9: {  	[dreg:$0x3] =	wrdreg s5  }
0xaa: {  	[dreg:$0x4] =	wrdreg $0xC0  }
0xab: {  	_ =	task [dreg:s7], $0x5FFFF  }
0xac: {  	[dreg:$0x1] =	wrdreg $0xFFFFFFFF  }
0xad: {  	[dreg:$0x0] =	wrdreg $0x60  }
0xae: {  	[dreg:$0x2] =	wrdreg s24  }
0xaf: {  	[dreg:$0x3] =	wrdreg s2  }
0xb0: {  	[dreg:$0x4] =	wrdreg $0x41800  }
0xb1: {  	[dreg:$0x5] =	wrdreg $0x181800  }
0xb2: {  	[dreg:$0x6] =	wrdreg $0x9  }
0xb3: {  	_ =	task.clear_ibuf [dreg:s7], $0x7FFFF;
	_ =	strace $0x90000046  }
0xb4: {  	s29 =	simm.s32 $0x9;
	_ =	strace $0x80000048  }
0xb5: {  	_ =	swait.ge [sflag:s29], $0x1  }
0xb6: {  	[sflag:s29] =	ssyncadd.s32 $0xFFFFFFFF  }
0xb7: {  	_ =	strace $0x90000048  }
0xb8: {  	_ =	sfence  }
0xb9: {  	s30 =	sld [smem:$0x0];
	_ =	sdelay $0x2  }
0xba: {  	s31 =	sshll.u32 s1, $0xD;
	s1 =	sshrl.u32 s1, $0x2  }
0xbb: {  	s3 =	sand.u32 $0x4000, s31;
	s1 =	sadd.s32 s1, s30  }
0xbc: {  	s0 =	sor.u32 s3, s0;
	s1 =	sshll.u32 s1, $0x11  }
0xbd: {  	s0 =	sor.u32 s1, s0  }
0xbe: {  	s0 =	sadd.s32 $0x8F2B, s0  }
0xbf: {  	[sflag:s0] =	ssyncadd.remote.s32 $0x1  }
0xc0: {  	_ =	sfence.sel $0xFFFF  }
0xc1: {  	[dreg:$0x0] =	wrdreg $0xFFFFFFFF;
	(pc) =	sbr.abs _section_cstart, $3  }
0xc2: {  	[dreg:$0x1] =	wrdreg $0xFFFFFFFF  }
0xc3: {  	_ =	task.clear_ibuf [dreg:s7], $0x2FFFF;
	_ =	strace $0x9FFFFFFF  }
0xc4: {  	(tm) =	ssettm $0x7FFFFFFF  }
0xc5: {  	_ =	shalt  }
tec
execute0_lowered:
.L_overlay_start_1:
0x0: {  	(tag) =	ssettag $0x1  }
0x1: {  	s0 =	rddreg [dreg:$0x0]  }
0x2: {  	s2 =	rddreg [dreg:$0x1]  }
0x3: {  	s1 =	rddreg [dreg:$0x2]  }
0x4: {  	s3 =	rddreg [dreg:$0x3];
	s4 =	simm.s32 $0x0;
	s28 =	stileid.u32  }
0x5: {  	s5 =	srdreg.scid;
	s29 =	simm.s32 $0x4100;
	s7 =	smul.u32 $0x280, s28  }
0x6: {  	s30 =	simm.s32 $0x80;
	s31 =	simm.s32 $0x1;
	s17 =	smul.u32 $0x14000, s28  }
0x7: {  	[smem:$0x7FF] =	sst s4;
	s10 =	sand.u32 $0x1, s5;
	s18 =	smul.u32 $0x500, s28  }
0x8: {  	s9 =	sadd.s32 $0x34000, s0;
	_ =	strace $0x80000047;
	s21 =	smul.u32 $0x4F00, s10  }
0x9: {  	s5 =	ssub.s32 $0x2, s10;
	s14 =	smul.u32 $0x140000, s10;
	s10 =	sshll.u32 s10, $0x7  }
0xa: {  	s6 =	sshrl.u32 s5, $0x1;
	s11 =	sadd.s32 $0x80, s7;
	s20 =	sshrl.u32 s7, $0x3  }
0xb: {  	s12 =	sadd.s32 $0x100, s7;
	s13 =	sadd.s32 $0x180, s7;
	s16 =	sadd.s32 $0x200, s7  }
0xc: {  	s24 =	ssub.s32 s5, s6;
	s22 =	sshrl.u32 s11, $0x3;
	s5 =	sadd.s32 s9, s20  }
0xd: {  	s8 =	sshrl.u32 s12, $0x3;
	s15 =	sshrl.u32 s13, $0x3;
	s23 =	sshrl.u32 s16, $0x3  }
0xe: {  	s25 =	sshll.u32 s11, $0x7;
	s19 =	sshll.u32 s12, $0x7;
	s20 =	sshll.u32 s13, $0x7  }
0xf: {  	s11 =	sshll.u32 s11, $0x1;
	s12 =	sshll.u32 s12, $0x1;
	s13 =	sshll.u32 s13, $0x1  }
0x10: {  	s26 =	sshll.u32 s16, $0x1;
	s2 =	sadd.s32 s21, s2;
	s6 =	sadd.s32 s9, s22  }
0x11: {  	s7 =	sadd.s32 s9, s8;
	s8 =	sadd.s32 s9, s15;
	s9 =	sadd.s32 s9, s23  }
0x12: {  	s15 =	sadd.s32 s17, s14;
	s17 =	sadd.s32 s14, s25;
	s22 =	sshll.u32 s16, $0x7  }
0x13: {  	s19 =	sadd.s32 s14, s19;
	s20 =	sadd.s32 s14, s20;
	s23 =	sadd.s32 $0x35A00, s0  }
0x14: {  	s11 =	sor.u32 s10, s11;
	s25 =	sor.u32 s10, s13;
	s24 =	smax.u32 s24, $0x1  }
0x15: {  	s22 =	sadd.s32 s14, s22;
	s14 =	sor.u32 s10, s18;
	s18 =	sor.u32 s10, s12  }
0x16: {  	s10 =	sor.u32 s10, s26;
	s26 =	sadd.s32 $0x35000, s0;
	s13 =	sshrl.u32 s15, $0x3  }
0x17: {  	s15 =	sshrl.u32 s17, $0x3;
	s11 =	sshrl.u32 s11, $0x3;
	s17 =	sshrl.u32 s19, $0x3  }
0x18: {  	s19 =	sshrl.u32 s20, $0x3;
	s20 =	sshrl.u32 s25, $0x3;
	s25 =	sadd.s32 s21, s0  }
0x19: {  	s12 =	sadd.s32 s23, s13;
	s14 =	sshrl.u32 s14, $0x3;
	s16 =	sadd.s32 s23, s15  }
0x1a: {  	s11 =	sadd.s32 s26, s11;
	s18 =	sshrl.u32 s18, $0x3;
	[dreg:$0x5] =	wrdreg s12  }
0x1b: {  	s22 =	sshrl.u32 s22, $0x3;
	s10 =	sshrl.u32 s10, $0x3;
	[dreg:$0x7] =	wrdreg s16  }
0x1c: {  	s12 =	sadd.s32 s26, s14;
	[dreg:$0x8] =	wrdreg s11;
	s11 =	sadd.s32 s23, s17  }
0x1d: {  	s15 =	sadd.s32 s26, s18;
	s16 =	sadd.s32 s23, s19;
	s17 =	sadd.s32 s23, s22  }
0x1e: {  	s23 =	smul.u32 $0x4F0, s28;
	s18 =	sadd.s32 s26, s20;
	s19 =	sadd.s32 s26, s10  }
0x1f: {  	s20 =	sadd.s32 $0xC000, s0;
	s22 =	sadd.s32 $0x34600, s0;
	[dreg:$0x6] =	wrdreg s12  }
0x20: {  	s28 =	simm.s32 $0x3;
	[dreg:$0x9] =	wrdreg s11;
	s21 =	sadd.s32 s23, s2  }
0x21: {  	s26 =	sadd.s32 s23, s25;
	s23 =	sadd.s32 $0x34E00, s0;
	s0 =	simm.s32 $0x2  }
0x22: {  	s2 =	simm.s32 $0x0;
	s25 =	sadd.s32 $0x2200, s26;
	s26 =	simm.s32 $0x100  }
.LBB2_1:
0x23: {  	[tilespmem:s26], [sflag:$0x3] =	stream.linear.gather [hbm4b:s22+s4], $0x4000, $0x38;
	[tilespmem:$0x18400] =	vst v63  }
0x24: {  	_ =	swait.ge [sflag:s28], $0x4000  }
0x25: {  	[sflag:s28] =	ssyncset.done $0x0  }
0x26: {  	[sflag:s28] =	ssyncadd.s32 $0xFFFFC000  }
0x27: {  	[tilespmem:s29], [sflag:$0x3] =	stream.linear.gather [hbm4b:s22+s4], $0x80, $0x38;
	[tilespmem:$0x18400] =	vst v63  }
0x28: {  	_ =	swait.ge [sflag:s28], $0x80  }
0x29: {  	[sflag:s28] =	ssyncset.done $0x0  }
0x2a: {  	[sflag:s28] =	ssyncadd.s32 $0xFFFFFF80  }
0x2b: {  	[tilespmem:s4], [sflag:$0x3] =	stream.linear.gather [hbm4b:s5+s4], $0x80, $0x38;
	[tilespmem:$0x18400] =	vst v63  }
0x2c: {  	_ =	swait.ge [sflag:s28], $0x80  }
0x2d: {  	[sflag:s28] =	ssyncset.done $0x0  }
0x2e: {  	[sflag:s28] =	ssyncadd.s32 $0xFFFFFF80  }
0x2f: {  	[spmem:s1] =	stream.indirect.scatter [tilespmem:s26], [sflag:$0x3], $0x80, s4, s30, $0xb8;
	[tilespmem:$0x18400] =	vst v63  }
0x30: {  	_ =	swait.ge [sflag:s28], $0x4000  }
0x31: {  	[sflag:s28] =	ssyncset.done $0x0  }
0x32: {  	[sflag:s28] =	ssyncadd.s32 $0xFFFFC000  }
0x33: {  	[spmem:s3] =	stream.indirect.scatter [tilespmem:s29], [sflag:$0x3], $0x1, s4, s30, $0xb8;
	[tilespmem:$0x18400] =	vst v63  }
0x34: {  	_ =	swait.ge [sflag:s28], $0x80  }
0x35: {  	[sflag:s28] =	ssyncset.done $0x0  }
0x36: {  	[sflag:s28] =	ssyncadd.s32 $0xFFFFFF80  }
0x37: {  	[tilespmem:s4], [sflag:$0x3] =	stream.linear.gather [hbm4b:s6+s4], $0x80, $0x38;
	[tilespmem:$0x18400] =	vst v63  }
0x38: {  	_ =	swait.ge [sflag:s28], $0x80  }
0x39: {  	[sflag:s28] =	ssyncset.done $0x0  }
0x3a: {  	[sflag:s28] =	ssyncadd.s32 $0xFFFFFF80  }
0x3b: {  	[spmem:s1] =	stream.indirect.scatter [tilespmem:s26], [sflag:$0x3], $0x80, s4, s30, $0xb8;
	[tilespmem:$0x18400] =	vst v63  }
0x3c: {  	_ =	swait.ge [sflag:s28], $0x4000  }
0x3d: {  	[sflag:s28] =	ssyncset.done $0x0  }
0x3e: {  	[sflag:s28] =	ssyncadd.s32 $0xFFFFC000  }
0x3f: {  	[spmem:s3] =	stream.indirect.scatter [tilespmem:s29], [sflag:$0x3], $0x1, s4, s30, $0xb8;
	[tilespmem:$0x18400] =	vst v63  }
0x40: {  	_ =	swait.ge [sflag:s28], $0x80  }
0x41: {  	[sflag:s28] =	ssyncset.done $0x0  }
0x42: {  	[sflag:s28] =	ssyncadd.s32 $0xFFFFFF80  }
0x43: {  	[tilespmem:s4], [sflag:$0x3] =	stream.linear.gather [hbm4b:s7+s4], $0x80, $0x38;
	[tilespmem:$0x18400] =	vst v63  }
0x44: {  	_ =	swait.ge [sflag:s28], $0x80  }
0x45: {  	[sflag:s28] =	ssyncset.done $0x0  }
0x46: {  	[sflag:s28] =	ssyncadd.s32 $0xFFFFFF80  }
0x47: {  	[spmem:s1] =	stream.indirect.scatter [tilespmem:s26], [sflag:$0x3], $0x80, s4, s30, $0xb8;
	[tilespmem:$0x18400] =	vst v63  }
0x48: {  	_ =	swait.ge [sflag:s28], $0x4000  }
0x49: {  	[sflag:s28] =	ssyncset.done $0x0  }
0x4a: {  	[sflag:s28] =	ssyncadd.s32 $0xFFFFC000  }
0x4b: {  	[spmem:s3] =	stream.indirect.scatter [tilespmem:s29], [sflag:$0x3], $0x1, s4, s30, $0xb8;
	[tilespmem:$0x18400] =	vst v63  }
0x4c: {  	_ =	swait.ge [sflag:s28], $0x80  }
0x4d: {  	[sflag:s28] =	ssyncset.done $0x0  }
0x4e: {  	[sflag:s28] =	ssyncadd.s32 $0xFFFFFF80  }
0x4f: {  	[tilespmem:s4], [sflag:$0x3] =	stream.linear.gather [hbm4b:s8+s4], $0x80, $0x38;
	[tilespmem:$0x18400] =	vst v63  }
0x50: {  	_ =	swait.ge [sflag:s28], $0x80  }
0x51: {  	[sflag:s28] =	ssyncset.done $0x0  }
0x52: {  	[sflag:s28] =	ssyncadd.s32 $0xFFFFFF80  }
0x53: {  	[spmem:s1] =	stream.indirect.scatter [tilespmem:s26], [sflag:$0x3], $0x80, s4, s30, $0xb8;
	[tilespmem:$0x18400] =	vst v63  }
0x54: {  	_ =	swait.ge [sflag:s28], $0x4000  }
0x55: {  	[sflag:s28] =	ssyncset.done $0x0  }
0x56: {  	[sflag:s28] =	ssyncadd.s32 $0xFFFFC000  }
0x57: {  	[spmem:s3] =	stream.indirect.scatter [tilespmem:s29], [sflag:$0x3], $0x1, s4, s30, $0xb8;
	[tilespmem:$0x18400] =	vst v63  }
0x58: {  	_ =	swait.ge [sflag:s28], $0x80  }
0x59: {  	[sflag:s28] =	ssyncset.done $0x0  }
0x5a: {  	[sflag:s28] =	ssyncadd.s32 $0xFFFFFF80  }
0x5b: {  	[tilespmem:s4], [sflag:$0x3] =	stream.linear.gather [hbm4b:s9+s4], $0x80, $0x38;
	[tilespmem:$0x18400] =	vst v63  }
0x5c: {  	_ =	swait.ge [sflag:s28], $0x80  }
0x5d: {  	[sflag:s28] =	ssyncset.done $0x0  }
0x5e: {  	[sflag:s28] =	ssyncadd.s32 $0xFFFFFF80  }
0x5f: {  	[spmem:s1] =	stream.indirect.scatter [tilespmem:s26], [sflag:$0x3], $0x80, s4, s30, $0xb8;
	[tilespmem:$0x18400] =	vst v63  }
0x60: {  	_ =	swait.ge [sflag:s28], $0x4000  }
0x61: {  	[sflag:s28] =	ssyncset.done $0x0  }
0x62: {  	[sflag:s28] =	ssyncadd.s32 $0xFFFFC000  }
0x63: {  	[spmem:s3] =	stream.indirect.scatter [tilespmem:s29], [sflag:$0x3], $0x1, s4, s30, $0xb8;
	[tilespmem:$0x18400] =	vst v63  }
0x64: {  	_ =	swait.ge [sflag:s28], $0x80  }
0x65: {  	[sflag:s28] =	ssyncset.done $0x0  }
0x66: {  	[sflag:s28] =	ssyncadd.s32 $0xFFFFFF80  }
0x67: {  	[tilespmem:s29], [sflag:$0x3] =	stream.linear.gather [hbm4b:s23+s4], $0x80, $0x38;
	[tilespmem:$0x18400] =	vst v63  }
0x68: {  	_ =	swait.ge [sflag:s28], $0x80  }
0x69: {  	[sflag:s28] =	ssyncset.done $0x0  }
0x6a: {  	[sflag:s28] =	ssyncadd.s32 $0xFFFFFF80  }
0x6b: {  	s10 =	sadd.s32 $0x0, s25;
	[bflag:$0x0] =	sbarrier.arrive $0xFFFF  }
0x6c: {  	[tilespmem:s30], [sflag:$0x2] =	stream.linear.gather [hbm4b:s10+s4], $0x80, $0x38;
	[tilespmem:$0x18400] =	vst v63  }
0x6d: {  	s14 =	sadd.s32 $0x0, s21  }
0x6e: {  	[tilespmem:s4], [sflag:$0x3] =	stream.linear.gather [hbm4b:s14+s4], $0x80, $0x38;
	[tilespmem:$0x18400] =	vst v63  }
0x6f: {  	_ =	swait.ge [sflag:s28], $0x80  }
0x70: {  	[sflag:s28] =	ssyncset.done $0x0  }
0x71: {  	[sflag:s28] =	ssyncadd.s32 $0xFFFFFF80  }
0x72: {  	[tilespmem:s26], [sflag:$0x1] =	stream.indirect.gather [hbm4b:s20+s30], $0x80, s4, s30, $0xb8;
	[tilespmem:$0x18400] =	vst v63  }
0x73: {  	_ =	swait.ge [sflag:s31], $0x4000  }
0x74: {  	[sflag:s31] =	ssyncset.done $0x0  }
0x75: {  	[sflag:s31] =	ssyncadd.s32 $0xFFFFC000  }
0x76: {  	_ =	swait.ge [sflag:s0], $0x80  }
0x77: {  	[sflag:s0] =	ssyncset.done $0x0  }
0x78: {  	[sflag:s0] =	ssyncadd.s32 $0xFFFFFF80  }
0x79: {  	[spmem:s3] =	stream.indirect.scatter.add.f32 [tilespmem:s29], [sflag:$0x2], $0x1, s30, s30, $0xb8;
	[tilespmem:$0x18400] =	vst v63  }
0x7a: {  	_ = 	snop  }
0x7b: {  	[spmem:s1] =	stream.indirect.scatter.add.f32 [tilespmem:s26], [sflag:$0x3], $0x80, s30, s30, $0xb8;
	[tilespmem:$0x18400] =	vst v63  }
0x7c: {  	_ =	swait.ge [sflag:s28], $0x4000  }
0x7d: {  	[sflag:s28] =	ssyncset.done $0x0  }
0x7e: {  	[sflag:s28] =	ssyncadd.s32 $0xFFFFC000  }
0x7f: {  	_ =	swait.ge [sflag:s0], $0x80  }
0x80: {  	s11 =	simm.s32 $0x20;
	s10 =	simm.s32 $0x10;
	[sflag:s0] =	ssyncset.done $0x0  }
.LBB2_2:
0x81: {  	s12 =	sadd.s32 s10, s25  }
0x82: {  	[sflag:s0] =	ssyncadd.s32 $0xFFFFFF80;
	s13 =	smov.u32 s11;
	s14 =	sadd.s32 $0x10, s11  }
0x83: {  	[tilespmem:s30], [sflag:$0x2] =	stream.linear.gather [hbm4b:s12+s4], $0x80, $0x38;
	[tilespmem:$0x18400] =	vst v63  }
0x84: {  	p0 =	sne.s32 s11, $0x4E0;
	s11 =	sadd.s32 s10, s21;
	s10 =	smov.u32 s13  }
0x85: {  	[tilespmem:s4], [sflag:$0x3] =	stream.linear.gather [hbm4b:s11+s4], $0x80, $0x38;
	[tilespmem:$0x18400] =	vst v63  }
0x86: {  	_ =	swait.ge [sflag:s28], $0x80  }
0x87: {  	[sflag:s28] =	ssyncset.done $0x0  }
0x88: {  	[sflag:s28] =	ssyncadd.s32 $0xFFFFFF80  }
0x89: {  	[tilespmem:s26], [sflag:$0x1] =	stream.indirect.gather [hbm4b:s20+s30], $0x80, s4, s30, $0xb8;
	[tilespmem:$0x18400] =	vst v63  }
0x8a: {  	_ =	swait.ge [sflag:s31], $0x4000  }
0x8b: {  	[sflag:s31] =	ssyncset.done $0x0  }
0x8c: {  	[sflag:s31] =	ssyncadd.s32 $0xFFFFC000  }
0x8d: {  	_ =	swait.ge [sflag:s0], $0x80  }
0x8e: {  	[sflag:s0] =	ssyncset.done $0x0  }
0x8f: {  	[sflag:s0] =	ssyncadd.s32 $0xFFFFFF80  }
0x90: {  	[spmem:s3] =	stream.indirect.scatter.add.f32 [tilespmem:s29], [sflag:$0x2], $0x1, s30, s30, $0xb8;
	[tilespmem:$0x18400] =	vst v63  }
0x91: {  	_ = 	snop  }
0x92: {  	[spmem:s1] =	stream.indirect.scatter.add.f32 [tilespmem:s26], [sflag:$0x3], $0x80, s30, s30, $0xb8;
	[tilespmem:$0x18400] =	vst v63  }
.Ltmp0:
0x93: {  	_ =	swait.ge [sflag:s28], $0x4000;
	(pc) =	sbr.rel @p0 .LBB2_2-.Ltmp0, $4  }
0x94: {  	[sflag:s28] =	ssyncset.done $0x0  }
0x95: {  	[sflag:s28] =	ssyncadd.s32 $0xFFFFC000  }
0x96: {  	_ =	swait.ge [sflag:s0], $0x80  }
0x97: {  	s11 =	smov.u32 s14;
	[sflag:s0] =	ssyncset.done $0x0  }
0x98: {  	s11 =	sadd.s32 s10, s25;
	[sflag:s0] =	ssyncadd.s32 $0xFFFFFF80  }
0x99: {  	[tilespmem:s30], [sflag:$0x2] =	stream.linear.gather [hbm4b:s11+s4], $0x80, $0x38;
	[tilespmem:$0x18400] =	vst v63  }
0x9a: {  	s13 =	sadd.s32 s10, s21  }
0x9b: {  	[tilespmem:s4], [sflag:$0x3] =	stream.linear.gather [hbm4b:s13+s4], $0x80, $0x38;
	[tilespmem:$0x18400] =	vst v63  }
0x9c: {  	_ =	swait.ge [sflag:s28], $0x80  }
0x9d: {  	[sflag:s28] =	ssyncset.done $0x0  }
0x9e: {  	[sflag:s28] =	ssyncadd.s32 $0xFFFFFF80  }
0x9f: {  	[tilespmem:s26], [sflag:$0x1] =	stream.indirect.gather [hbm4b:s20+s30], $0x80, s4, s30, $0xb8;
	[tilespmem:$0x18400] =	vst v63  }
0xa0: {  	_ =	swait.ge [sflag:s31], $0x4000  }
0xa1: {  	[sflag:s31] =	ssyncset.done $0x0  }
0xa2: {  	[sflag:s31] =	ssyncadd.s32 $0xFFFFC000  }
0xa3: {  	_ =	swait.ge [sflag:s0], $0x80  }
0xa4: {  	[sflag:s0] =	ssyncset.done $0x0  }
0xa5: {  	[sflag:s0] =	ssyncadd.s32 $0xFFFFFF80  }
0xa6: {  	[spmem:s3] =	stream.indirect.scatter.add.f32 [tilespmem:s29], [sflag:$0x2], $0x1, s30, s30, $0xb8;
	[tilespmem:$0x18400] =	vst v63  }
0xa7: {  	_ = 	snop  }
0xa8: {  	[spmem:s1] =	stream.indirect.scatter.add.f32 [tilespmem:s26], [sflag:$0x3], $0x80, s30, s30, $0xb8;
	[tilespmem:$0x18400] =	vst v63  }
0xa9: {  	_ =	swait.ge [sflag:s28], $0x4000  }
0xaa: {  	[sflag:s28] =	ssyncset.done $0x0  }
0xab: {  	[sflag:s28] =	ssyncadd.s32 $0xFFFFC000  }
0xac: {  	_ =	swait.ge [sflag:s0], $0x80  }
0xad: {  	[sflag:s0] =	ssyncset.done $0x0  }
0xae: {  	[sflag:s0] =	ssyncadd.s32 $0xFFFFFF80  }
0xaf: {  	[bflag:$0x0] =	sbarrier.arrive $0xFFFF  }
0xb0: {  	[tilespmem:s4], [sflag:$0x3] =	stream.linear.gather [hbm4b:s5+s4], $0x80, $0x38;
	[tilespmem:$0x18400] =	vst v63  }
0xb1: {  	_ =	swait.ge [sflag:s28], $0x80  }
0xb2: {  	[sflag:s28] =	ssyncset.done $0x0  }
0xb3: {  	[sflag:s28] =	ssyncadd.s32 $0xFFFFFF80  }
0xb4: {  	[tilespmem:s26], [sflag:$0x1] =	stream.indirect.gather [spmem:s1], $0x80, s4, s30, $0xb8;
	[tilespmem:$0x18400] =	vst v63  }
0xb5: {  	_ =	swait.ge [sflag:s31], $0x4000  }
0xb6: {  	[sflag:s31] =	ssyncset.done $0x0  }
0xb7: {  	s14 =	rddreg [dreg:$0x5];
	[sflag:s31] =	ssyncadd.s32 $0xFFFFC000  }
0xb8: {  	[hbm4b:s14+s4] =	stream.linear.scatter [tilespmem:s26], [sflag:$0x3], $0x4000, $0x38;
	[tilespmem:$0x18400] =	vst v63  }
0xb9: {  	_ =	swait.ge [sflag:s28], $0x4000  }
0xba: {  	[sflag:s28] =	ssyncset.done $0x0  }
0xbb: {  	[sflag:s28] =	ssyncadd.s32 $0xFFFFC000  }
0xbc: {  	[tilespmem:s29], [sflag:$0x1] =	stream.indirect.gather [spmem:s3], $0x1, s4, s30, $0xb8;
	[tilespmem:$0x18400] =	vst v63  }
0xbd: {  	_ =	swait.ge [sflag:s31], $0x80  }
0xbe: {  	[sflag:s31] =	ssyncset.done $0x0  }
0xbf: {  	s11 =	rddreg [dreg:$0x6];
	[sflag:s31] =	ssyncadd.s32 $0xFFFFFF80  }
0xc0: {  	[hbm4b:s11+s4] =	stream.linear.scatter [tilespmem:s29], [sflag:$0x3], $0x80, $0x38;
	[tilespmem:$0x18400] =	vst v63  }
0xc1: {  	_ =	swait.ge [sflag:s28], $0x80  }
0xc2: {  	[sflag:s28] =	ssyncset.done $0x0  }
0xc3: {  	[sflag:s28] =	ssyncadd.s32 $0xFFFFFF80  }
0xc4: {  	[tilespmem:s4], [sflag:$0x3] =	stream.linear.gather [hbm4b:s6+s4], $0x80, $0x38;
	[tilespmem:$0x18400] =	vst v63  }
0xc5: {  	_ =	swait.ge [sflag:s28], $0x80  }
0xc6: {  	[sflag:s28] =	ssyncset.done $0x0  }
0xc7: {  	[sflag:s28] =	ssyncadd.s32 $0xFFFFFF80  }
0xc8: {  	[tilespmem:s26], [sflag:$0x1] =	stream.indirect.gather [spmem:s1], $0x80, s4, s30, $0xb8;
	[tilespmem:$0x18400] =	vst v63  }
0xc9: {  	_ =	swait.ge [sflag:s31], $0x4000  }
0xca: {  	[sflag:s31] =	ssyncset.done $0x0  }
0xcb: {  	s12 =	rddreg [dreg:$0x7];
	[sflag:s31] =	ssyncadd.s32 $0xFFFFC000  }
0xcc: {  	[hbm4b:s12+s4] =	stream.linear.scatter [tilespmem:s26], [sflag:$0x3], $0x4000, $0x38;
	[tilespmem:$0x18400] =	vst v63  }
0xcd: {  	_ =	swait.ge [sflag:s28], $0x4000  }
0xce: {  	[sflag:s28] =	ssyncset.done $0x0  }
0xcf: {  	[sflag:s28] =	ssyncadd.s32 $0xFFFFC000  }
0xd0: {  	[tilespmem:s29], [sflag:$0x1] =	stream.indirect.gather [spmem:s3], $0x1, s4, s30, $0xb8;
	[tilespmem:$0x18400] =	vst v63  }
0xd1: {  	_ =	swait.ge [sflag:s31], $0x80  }
0xd2: {  	[sflag:s31] =	ssyncset.done $0x0  }
0xd3: {  	s13 =	rddreg [dreg:$0x8];
	[sflag:s31] =	ssyncadd.s32 $0xFFFFFF80  }
0xd4: {  	[hbm4b:s13+s4] =	stream.linear.scatter [tilespmem:s29], [sflag:$0x3], $0x80, $0x38;
	[tilespmem:$0x18400] =	vst v63  }
0xd5: {  	_ =	swait.ge [sflag:s28], $0x80  }
0xd6: {  	[sflag:s28] =	ssyncset.done $0x0  }
0xd7: {  	[sflag:s28] =	ssyncadd.s32 $0xFFFFFF80  }
0xd8: {  	[tilespmem:s4], [sflag:$0x3] =	stream.linear.gather [hbm4b:s7+s4], $0x80, $0x38;
	[tilespmem:$0x18400] =	vst v63  }
0xd9: {  	_ =	swait.ge [sflag:s28], $0x80  }
0xda: {  	[sflag:s28] =	ssyncset.done $0x0  }
0xdb: {  	[sflag:s28] =	ssyncadd.s32 $0xFFFFFF80  }
0xdc: {  	[tilespmem:s26], [sflag:$0x1] =	stream.indirect.gather [spmem:s1], $0x80, s4, s30, $0xb8;
	[tilespmem:$0x18400] =	vst v63  }
0xdd: {  	_ =	swait.ge [sflag:s31], $0x4000  }
0xde: {  	[sflag:s31] =	ssyncset.done $0x0  }
0xdf: {  	s14 =	rddreg [dreg:$0x9];
	[sflag:s31] =	ssyncadd.s32 $0xFFFFC000  }
0xe0: {  	[hbm4b:s14+s4] =	stream.linear.scatter [tilespmem:s26], [sflag:$0x3], $0x4000, $0x38;
	[tilespmem:$0x18400] =	vst v63  }
0xe1: {  	_ =	swait.ge [sflag:s28], $0x4000  }
0xe2: {  	[sflag:s28] =	ssyncset.done $0x0  }
0xe3: {  	[sflag:s28] =	ssyncadd.s32 $0xFFFFC000  }
0xe4: {  	[tilespmem:s29], [sflag:$0x1] =	stream.indirect.gather [spmem:s3], $0x1, s4, s30, $0xb8;
	[tilespmem:$0x18400] =	vst v63  }
0xe5: {  	_ =	swait.ge [sflag:s31], $0x80  }
0xe6: {  	[sflag:s31] =	ssyncset.done $0x0  }
0xe7: {  	[sflag:s31] =	ssyncadd.s32 $0xFFFFFF80  }
0xe8: {  	[hbm4b:s15+s4] =	stream.linear.scatter [tilespmem:s29], [sflag:$0x3], $0x80, $0x38;
	[tilespmem:$0x18400] =	vst v63  }
0xe9: {  	_ =	swait.ge [sflag:s28], $0x80  }
0xea: {  	[sflag:s28] =	ssyncset.done $0x0  }
0xeb: {  	[sflag:s28] =	ssyncadd.s32 $0xFFFFFF80  }
0xec: {  	[tilespmem:s4], [sflag:$0x3] =	stream.linear.gather [hbm4b:s8+s4], $0x80, $0x38;
	[tilespmem:$0x18400] =	vst v63  }
0xed: {  	_ =	swait.ge [sflag:s28], $0x80  }
0xee: {  	[sflag:s28] =	ssyncset.done $0x0  }
0xef: {  	[sflag:s28] =	ssyncadd.s32 $0xFFFFFF80  }
0xf0: {  	[tilespmem:s26], [sflag:$0x1] =	stream.indirect.gather [spmem:s1], $0x80, s4, s30, $0xb8;
	[tilespmem:$0x18400] =	vst v63  }
0xf1: {  	_ =	swait.ge [sflag:s31], $0x4000  }
0xf2: {  	[sflag:s31] =	ssyncset.done $0x0  }
0xf3: {  	[sflag:s31] =	ssyncadd.s32 $0xFFFFC000  }
0xf4: {  	[hbm4b:s16+s4] =	stream.linear.scatter [tilespmem:s26], [sflag:$0x3], $0x4000, $0x38;
	[tilespmem:$0x18400] =	vst v63  }
0xf5: {  	_ =	swait.ge [sflag:s28], $0x4000  }
0xf6: {  	[sflag:s28] =	ssyncset.done $0x0  }
0xf7: {  	[sflag:s28] =	ssyncadd.s32 $0xFFFFC000  }
0xf8: {  	[tilespmem:s29], [sflag:$0x1] =	stream.indirect.gather [spmem:s3], $0x1, s4, s30, $0xb8;
	[tilespmem:$0x18400] =	vst v63  }
0xf9: {  	_ =	swait.ge [sflag:s31], $0x80  }
0xfa: {  	[sflag:s31] =	ssyncset.done $0x0  }
0xfb: {  	[sflag:s31] =	ssyncadd.s32 $0xFFFFFF80  }
0xfc: {  	[hbm4b:s18+s4] =	stream.linear.scatter [tilespmem:s29], [sflag:$0x3], $0x80, $0x38;
	[tilespmem:$0x18400] =	vst v63  }
0xfd: {  	_ =	swait.ge [sflag:s28], $0x80  }
0xfe: {  	[sflag:s28] =	ssyncset.done $0x0  }
0xff: {  	[sflag:s28] =	ssyncadd.s32 $0xFFFFFF80  }
0x100: {  	[tilespmem:s4], [sflag:$0x3] =	stream.linear.gather [hbm4b:s9+s4], $0x80, $0x38;
	[tilespmem:$0x18400] =	vst v63  }
0x101: {  	_ =	swait.ge [sflag:s28], $0x80  }
0x102: {  	[sflag:s28] =	ssyncset.done $0x0  }
0x103: {  	[sflag:s28] =	ssyncadd.s32 $0xFFFFFF80  }
0x104: {  	[tilespmem:s26], [sflag:$0x1] =	stream.indirect.gather [spmem:s1], $0x80, s4, s30, $0xb8;
	[tilespmem:$0x18400] =	vst v63  }
0x105: {  	_ =	swait.ge [sflag:s31], $0x4000  }
0x106: {  	[sflag:s31] =	ssyncset.done $0x0  }
0x107: {  	[sflag:s31] =	ssyncadd.s32 $0xFFFFC000  }
0x108: {  	[hbm4b:s17+s4] =	stream.linear.scatter [tilespmem:s26], [sflag:$0x3], $0x4000, $0x38;
	[tilespmem:$0x18400] =	vst v63  }
0x109: {  	_ =	swait.ge [sflag:s28], $0x4000  }
0x10a: {  	[sflag:s28] =	ssyncset.done $0x0  }
0x10b: {  	[sflag:s28] =	ssyncadd.s32 $0xFFFFC000  }
0x10c: {  	[tilespmem:s29], [sflag:$0x1] =	stream.indirect.gather [spmem:s3], $0x1, s4, s30, $0xb8;
	[tilespmem:$0x18400] =	vst v63  }
0x10d: {  	s2 =	sadd.s32 $0x1, s2;
	_ =	swait.ge [sflag:s31], $0x80  }
0x10e: {  	p0 =	sne.s32 s2, s24;
	[sflag:s31] =	ssyncset.done $0x0  }
.Ltmp1:
0x10f: {  	[sflag:s31] =	ssyncadd.s32 $0xFFFFFF80;
	(pc) =	sbr.rel @p0 .LBB2_1-.Ltmp1, $4  }
0x110: {  	[hbm4b:s19+s4] =	stream.linear.scatter [tilespmem:s29], [sflag:$0x3], $0x80, $0x38;
	[tilespmem:$0x18400] =	vst v63  }
0x111: {  	_ =	swait.ge [sflag:s28], $0x80  }
0x112: {  	[sflag:s28] =	ssyncset.done $0x0  }
0x113: {  	[sflag:s28] =	ssyncadd.s32 $0xFFFFFF80  }
0x114: {  	_ =	sfence.sel $0x180000  }
0x115: {  	[bflag:$0x0] =	sbarrier.arrive $0xFFFF  }
0x116: {  	_ =	strace $0x90000047  }
0x117: {  	s0 =	stileid.u32;
	[bflag:$0x2] =	sbarrier.arrive $0xFFFF  }
0x118: {  	p0 =	sne.s32 s0, $0x0;
	s0 =	rddreg [dreg:$0x4]  }
0x119: {  	s0 =	sadd.s32 @!p0 $0x100000, s0  }
0x11a: {  	[sflag:s0] =	ssyncadd.tile.s32 @!p0 $0x1;
	_ =	shalt  }
.Lfunc_end2:
_tile_overlayer_lowered:
.L_overlay_start_2:
0x11b: {  	(tag) =	ssettag $0x2  }
0x11c: {  	s0 =	rddreg [dreg:$0x0];
	s2 =	stileid.u32  }
0x11d: {  	s1 =	rddreg [dreg:$0x1];
	p0 =	sne.s32 s2, $0x0  }
0x11e: {  	s3 =	rddreg [dreg:$0x2];
	[bflag:$0x3] =	sbarrier.arrive $0xFFFF;
	s2 =	simm.s32 @!p0 $0x1C03  }
0x11f: {  	[timem:s3], [sflag:s2] =	dma.local @!p0 [hbm:s0], s1  }
0x120: {  	s0 =	simm.s32 @!p0 $0x3  }
0x121: {  	_ =	swait.ge @!p0 [sflag:s0], s1  }
0x122: {  	s1 =	ssub.s32 @!p0 $0x0, s1;
	[sflag:s0] =	ssyncset.done @!p0 $0x0  }
0x123: {  	[sflag:s0] =	ssyncadd.s32 @!p0 s1  }
0x124: {  	[bflag:$0x3] =	sbarrier.arrive $0xFFFF  }
0x125: {  	_ =	shalt  }

// kernel: kernel.9.cloned.1.call-start
scs
__scs_entry_jumppad:
0x0: {  	(pc) =	sbr.rel $0x88, $3  }
0x1: {  	(tag) =	ssettag $0x0;
	lr =	simm.s32 $0x1  }
0x2: {  	[smem:$0x3F99] =	sst lr;
	_ =	strace $0xD0000000  }
0x3: {  	_ = 	snop  }
0x4: {  	_ = 	snop  }
0x5: {  	_ = 	snop  }
0x6: {  	_ = 	snop  }
0x7: {  	_ = 	snop  }
__scs_overlays_trampoline_lowered:
0x8: {  	[smem:$0x3FA8] =	sst s0  }
0x9: {  	[smem:$0x3FA9] =	sst s1  }
0xa: {  	[smem:$0x3FAA] =	sst s2  }
0xb: {  	[smem:$0x3FAB] =	sst s3  }
0xc: {  	[smem:$0x3FAC] =	sst s4  }
0xd: {  	[smem:$0x3FAD] =	sst s5  }
0xe: {  	[smem:$0x3FAE] =	sst s6  }
0xf: {  	[smem:$0x3FAF] =	sst s7  }
0x10: {  	[smem:$0x3FB0] =	sst s8  }
0x11: {  	[smem:$0x3FB1] =	sst s9;
	s0 =	simm.s32 @!p0 $0x0  }
0x12: {  	s1 =	sld [smem:$0x3F97];
	s0 =	simm.s32 @p0 $0x1  }
0x13: {  	[smem:$0x3FB2] =	sst s0;
	s0 =	simm.s32 @!p1 $0x0  }
0x14: {  	s2 =	sld [smem:$0x3F96];
	s0 =	simm.s32 @p1 $0x1  }
0x15: {  	[smem:$0x3FB3] =	sst s0;
	s0 =	simm.s32 @!p2 $0x0  }
0x16: {  	s3 =	sld [smem:$0x3FDB];
	s0 =	simm.s32 @p2 $0x1  }
0x17: {  	s4 =	simm.s32 $0x1BF5;
	[smem:$0x3FB5] =	sst s0  }
0x18: {  	s0 =	sld [smem:$0x3F98];
	_ =	swait.ge [sflag:s4], $0x0  }
0x19: {  	s7 =	sld [smem:$0x3F99]  }
0x1a: {  	s8 =	sadd.s32 $0xFFFFE003, lr  }
0x1b: {  	s9 =	sadd.s32 $0xFFFFFEF7, lr;
	s5 =	simm.s32 $0xFFFFFFFF;
	p2 =	slt.u32 s8, $0xFFFFF086  }
0x1c: {  	p1 =	slt.u32 s9, $0xF7A;
	s5 =	simm.s32 @!p2 $0x0  }
0x1d: {  	s5 =	simm.s32 @p1 $0x1;
	p0 =	seq.s32 s7, s2  }
0x1e: {  	s7 =	smul.u32 @!p0 $0xF7A, s2;
	p2 =	seq.s32 @!p0 s5, $0x0  }
0x1f: {  	s9 =	smul.u32 $0xF7A, s1;
	s8 =	simm.s32 @!p0 $0x1BF5;
	p2 =	por !p2, p0  }
0x20: {  	[sflag:s8] =	ssyncset.s32 @!p0 $0xFFFFF086;
	s6 =	sadd.s32 @!p0 s3, s7;
	s7 =	simm.s32 @!p0 $0x108  }
0x21: {  	s3 =	sadd.s32 s3, s9;
	s6 =	sadd.s32 @!p0 $0x88, s6;
	s7 =	simm.s32 @p2 $0x1082  }
0x22: {  	[simem:s7], [sflag:s8] =	dma.local @!p0 [hbm:s6], $0xF7A  }
0x23: {  	s9 =	sor.u32 $0xD0000000, s2;
	s6 =	simm.s32 $0x108;
	_ =	swait.ge @!p0 [sflag:s8], $0x0  }
0x24: {  	s3 =	sadd.s32 $0x88, s3;
	s6 =	simm.s32 @!p1 $0x1082;
	[sflag:s4] =	ssyncset.s32 $0xFFFFF086  }
0x25: {  	[simem:s6], [sflag:s4] =	dma.local [hbm:s3], $0xF7A  }
0x26: {  	[smem:$0x3F99] =	sst s1;
	(tag) =	ssettag s2;
	_ =	strace s9  }
0x27: {  	s1 =	sld [smem:$0x3FA9]  }
0x28: {  	s2 =	sld [smem:$0x3FAA]  }
0x29: {  	s4 =	sld [smem:$0x3FAC]  }
0x2a: {  	p0 =	seq.s32 s5, $0x0;
	s5 =	sld [smem:$0x3FAD]  }
0x2b: {  	s6 =	sld [smem:$0x3FAE]  }
0x2c: {  	s7 =	sld [smem:$0x3FAF]  }
0x2d: {  	s3 =	simm.s32 $0x108;
	s8 =	sld [smem:$0x3FB0]  }
0x2e: {  	s3 =	simm.s32 @!p0 $0x1082;
	s9 =	sld [smem:$0x3FB1]  }
0x2f: {  	lr =	sadd.s32 s0, s3;
	s0 =	sld [smem:$0x3FA8]  }
0x30: {  	s3 =	sld [smem:$0x3FAB]  }
0x31: {  	[smem:$0x3FB4] =	sst s10  }
0x32: {  	s10 =	sld [smem:$0x3FB2];
	_ =	sdelay $0x3  }
0x33: {  	p0 =	seq.s32 s10, $0x1;
	s10 =	sld [smem:$0x3FB4];
	_ =	sdelay $0x3  }
0x34: {  	[smem:$0x3FB4] =	sst s10  }
0x35: {  	s10 =	sld [smem:$0x3FB3];
	_ =	sdelay $0x3  }
0x36: {  	p1 =	seq.s32 s10, $0x1;
	s10 =	sld [smem:$0x3FB4];
	_ =	sdelay $0x3  }
0x37: {  	[smem:$0x3FB4] =	sst s10  }
0x38: {  	s10 =	sld [smem:$0x3FB5]  }
0x39: {  	_ = 	snop;
	(pc) =	sbr.ind lr, $3  }
0x3a: {  	_ = 	snop  }
0x3b: {  	_ = 	snop  }
0x3c: {  	p2 =	seq.s32 s10, $0x1;
	s10 =	sld [smem:$0x3FB4]  }
0x3d: {  	_ =	shalt  }
0x3e: {  	_ =	shalt  }
0x3f: {  	_ =	shalt  }
0x40: {  	_ =	shalt  }
0x41: {  	_ =	shalt  }
0x42: {  	_ =	shalt  }
0x43: {  	_ =	shalt  }
0x44: {  	_ =	shalt  }
0x45: {  	_ =	shalt  }
0x46: {  	_ =	shalt  }
0x47: {  	_ =	shalt  }
0x48: {  	_ =	shalt  }
0x49: {  	_ =	shalt  }
0x4a: {  	_ =	shalt  }
0x4b: {  	_ =	shalt  }
0x4c: {  	_ =	shalt  }
0x4d: {  	_ =	shalt  }
0x4e: {  	_ =	shalt  }
0x4f: {  	_ =	shalt  }
0x50: {  	_ =	shalt  }
0x51: {  	_ =	shalt  }
0x52: {  	_ =	shalt  }
0x53: {  	_ =	shalt  }
0x54: {  	_ =	shalt  }
0x55: {  	_ =	shalt  }
0x56: {  	_ =	shalt  }
0x57: {  	_ =	shalt  }
0x58: {  	_ =	shalt  }
0x59: {  	_ =	shalt  }
0x5a: {  	_ =	shalt  }
0x5b: {  	_ =	shalt  }
0x5c: {  	_ =	shalt  }
0x5d: {  	_ =	shalt  }
0x5e: {  	_ =	shalt  }
0x5f: {  	_ =	shalt  }
0x60: {  	_ =	shalt  }
0x61: {  	_ =	shalt  }
0x62: {  	_ =	shalt  }
0x63: {  	_ =	shalt  }
0x64: {  	_ =	shalt  }
0x65: {  	_ =	shalt  }
0x66: {  	_ =	shalt  }
0x67: {  	_ =	shalt  }
0x68: {  	_ =	shalt  }
0x69: {  	_ =	shalt  }
0x6a: {  	_ =	shalt  }
0x6b: {  	_ =	shalt  }
0x6c: {  	_ =	shalt  }
0x6d: {  	_ =	shalt  }
0x6e: {  	_ =	shalt  }
0x6f: {  	_ =	shalt  }
0x70: {  	_ =	shalt  }
0x71: {  	_ =	shalt  }
0x72: {  	_ =	shalt  }
0x73: {  	_ =	shalt  }
0x74: {  	_ =	shalt  }
0x75: {  	_ =	shalt  }
0x76: {  	_ =	shalt  }
0x77: {  	_ =	shalt  }
0x78: {  	_ =	shalt  }
0x79: {  	_ =	shalt  }
0x7a: {  	_ =	shalt  }
0x7b: {  	_ =	shalt  }
0x7c: {  	_ =	shalt  }
0x7d: {  	_ =	shalt  }
0x7e: {  	_ =	shalt  }
0x7f: {  	_ =	shalt  }
0x80: {  	_ =	shalt  }
0x81: {  	_ =	shalt  }
0x82: {  	_ =	shalt  }
0x83: {  	_ =	shalt  }
0x84: {  	_ =	shalt  }
0x85: {  	_ =	shalt  }
0x86: {  	_ =	shalt  }
0x87: {  	_ =	shalt  }
.Lfunc_end0:
.L_simem_size_0:
called_computation.1_lowered:
.L_overlay_start_0:
0x88: {  	s2 =	sld [smem:$0x3FD9]  }
0x89: {  	s3 =	sld [smem:$0x3FFE];
	_ =	sdelay $0x1  }
0x8a: {  	s1 =	srdreg.scid  }
0x8b: {  	s0 =	sand.u32 $0x1, s1  }
0x8c: {  	s17 =	sshll.u32 s0, $0xA;
	s2 =	sadd.s32 s3, s2  }
0x8d: {  	s2 =	sadd.s32 s2, s17  }
0x8e: {  	[smem:$0x3FC0] =	sst s2  }
0x8f: {  	_ = 	snop  }
0x90: {  	s2 =	sld [smem:$0x3FD0];
	(tm) =	ssettm $0x1  }
0x91: {  	s18 =	sld [smem:$0x3FFB];
	_ =	sdelay $0x3  }
0x92: {  	_ =	strace s18  }
0x93: {  	s3 =	sld [smem:$0x3FFC];
	_ =	sdelay $0x3  }
0x94: {  	_ =	strace s3  }
0x95: {  	s3 =	sld [smem:$0x3FFD];
	_ =	sdelay $0x3  }
0x96: {  	_ =	strace s3  }
0x97: {  	_ =	strace $0x8FFFFFFF  }
0x98: {  	s19 =	sld [smem:$0x3FDB];
	_ =	sdelay $0x1  }
0x99: {  	s4 =	simm.s32 $_scs_section_size  }
0x9a: {  	s5 =	simm.s32 $_size__tile_overlayer_lowered;
	s6 =	simm.s32 $_tile_overlayer_lowered  }
0x9b: {  	s22 =	simm.s32 $0x1BFF;
	s21 =	sshll.u32 s6, $0x1;
	s3 =	sadd.s32 s4, s19  }
0x9c: {  	s7 =	simm.s32 $0x0;
	s20 =	sshll.u32 s5, $0x1;
	s5 =	sadd.s32 s21, s3  }
0x9d: {  	[timem:s7], [sflag:s22] =	dma.local [hbm:s5], s20  }
0x9e: {  	_ =	swait.ge [sflag:s22], s20  }
0x9f: {  	s4 =	ssub.s32 $0x0, s20;
	[sflag:s22] =	ssyncset.done $0x0  }
0xa0: {  	[sflag:s22] =	ssyncadd.s32 s4;
	_ =	sdelay $0x1  }
0xa1: {  	s23 =	simm.s32 $0x1B8B  }
0xa2: {  	_ =	swait.ge [sflag:s23], $0x1  }
0xa3: {  	[sflag:s23] =	ssyncset.done $0x0  }
0xa4: {  	s25 =	simm.s32 $0x1B8E;
	s24 =	sld [smem:$0x3FFE];
	[sflag:s23] =	ssyncadd.s32 $0xFFFFFFFF  }
0xa5: {  	s26 =	simm.s32 $execute0_lowered;
	[smem:$0x3FD2] =	sst s25  }
0xa6: {  	s5 =	sshll.u32 s26, $0x1;
	_ =	strace $0x80000049;
	[dreg:$0x1] =	wrdreg $0xFFFFFFFF  }
0xa7: {  	s28 =	simm.s32 $_size_execute0_lowered;
	s3 =	sadd.s32 s3, s5;
	[dreg:$0x0] =	wrdreg $0x0  }
0xa8: {  	s5 =	sshll.u32 s28, $0x1;
	[dreg:$0x2] =	wrdreg s3  }
0xa9: {  	[dreg:$0x3] =	wrdreg s5  }
0xaa: {  	[dreg:$0x4] =	wrdreg $0xC0  }
0xab: {  	_ =	task [dreg:s7], $0x5FFFF  }
0xac: {  	[dreg:$0x1] =	wrdreg $0xFFFFFFFF  }
0xad: {  	[dreg:$0x0] =	wrdreg $0x60  }
0xae: {  	[dreg:$0x2] =	wrdreg s24  }
0xaf: {  	[dreg:$0x3] =	wrdreg s2  }
0xb0: {  	[dreg:$0x4] =	wrdreg $0x41800  }
0xb1: {  	[dreg:$0x5] =	wrdreg $0x9  }
0xb2: {  	_ =	task.clear_ibuf [dreg:s7], $0x6FFFF;
	_ =	strace $0x90000049  }
0xb3: {  	s29 =	simm.s32 $0x9;
	_ =	strace $0x8000004B  }
0xb4: {  	_ =	swait.ge [sflag:s29], $0x1  }
0xb5: {  	[sflag:s29] =	ssyncadd.s32 $0xFFFFFFFF  }
0xb6: {  	_ =	strace $0x9000004B  }
0xb7: {  	_ =	sfence  }
0xb8: {  	s30 =	sld [smem:$0x0];
	_ =	sdelay $0x2  }
0xb9: {  	s31 =	sshll.u32 s1, $0xD;
	s1 =	sshrl.u32 s1, $0x2  }
0xba: {  	s3 =	sand.u32 $0x4000, s31;
	s1 =	sadd.s32 s1, s30  }
0xbb: {  	s0 =	sor.u32 s3, s0;
	s1 =	sshll.u32 s1, $0x11  }
0xbc: {  	s0 =	sor.u32 s1, s0  }
0xbd: {  	s0 =	sadd.s32 $0x8F2B, s0  }
0xbe: {  	[sflag:s0] =	ssyncadd.remote.s32 $0x1  }
0xbf: {  	_ =	sfence.sel $0xFFFF  }
0xc0: {  	[dreg:$0x0] =	wrdreg $0xFFFFFFFF;
	(pc) =	sbr.abs _section_cstart, $3  }
0xc1: {  	[dreg:$0x1] =	wrdreg $0xFFFFFFFF  }
0xc2: {  	_ =	task.clear_ibuf [dreg:s7], $0x2FFFF;
	_ =	strace $0x9FFFFFFF  }
0xc3: {  	(tm) =	ssettm $0x7FFFFFFF  }
tec
execute0_lowered:
.L_overlay_start_1:
0x0: {  	(tag) =	ssettag $0x1  }
0x1: {  	s6 =	rddreg [dreg:$0x0]  }
0x2: {  	s17 =	rddreg [dreg:$0x1]  }
0x3: {  	s1 =	rddreg [dreg:$0x2]  }
0x4: {  	s3 =	srdreg.scid;
	s0 =	rddreg [dreg:$0x3];
	s2 =	simm.s32 $0x0  }
0x5: {  	s8 =	sand.u32 $0x1, s3;
	[smem:$0x7FF] =	sst s2  }
0x6: {  	s3 =	stileid.u32;
	s4 =	sadd.s32 $0xC000, s6;
	s5 =	sadd.s32 $0x34600, s6  }
0x7: {  	s11 =	sadd.s32 $0x34000, s6;
	s15 =	sadd.s32 $0x35000, s6;
	s18 =	smul.u32 $0x4F00, s8  }
0x8: {  	_ =	strace $0x8000004A;
	s10 =	smul.u32 $0x280, s3;
	s7 =	ssub.s32 $0x2, s8  }
0x9: {  	s30 =	smul.u32 $0x4F0, s3;
	s20 =	sshrl.u32 s7, $0x1;
	s19 =	sadd.s32 s18, s6  }
0xa: {  	s12 =	sadd.s32 $0x80, s10;
	s16 =	ssub.s32 s7, s20;
	s21 =	sshrl.u32 s10, $0x3  }
0xb: {  	s13 =	sadd.s32 $0x100, s10;
	s14 =	sadd.s32 $0x180, s10;
	s20 =	smul.u32 $0x140000, s8  }
0xc: {  	s17 =	sadd.s32 s18, s17;
	s22 =	sshrl.u32 s12, $0x3;
	s6 =	sadd.s32 s11, s21  }
0xd: {  	s9 =	sshrl.u32 s13, $0x3;
	s23 =	sshrl.u32 s14, $0x3;
	s21 =	smul.u32 $0x14000, s3  }
0xe: {  	s24 =	sshll.u32 s12, $0x7;
	s13 =	sshll.u32 s13, $0x7;
	s14 =	sshll.u32 s14, $0x7  }
0xf: {  	s16 =	smax.u32 s16, $0x1;
	s31 =	sadd.s32 s30, s19;
	s17 =	sadd.s32 s30, s17  }
0x10: {  	s19 =	simm.s32 $0x100;
	s7 =	sadd.s32 s11, s22;
	s8 =	sadd.s32 s11, s9  }
0x11: {  	s9 =	sadd.s32 s11, s23;
	s22 =	sadd.s32 $0x200, s10;
	s23 =	sadd.s32 s20, s24  }
0x12: {  	s13 =	sadd.s32 s20, s13;
	s14 =	sadd.s32 s20, s14;
	s18 =	sadd.s32 $0x2200, s31  }
0x13: {  	s24 =	simm.s32 $0x2;
	s25 =	sshrl.u32 s22, $0x3;
	s21 =	sadd.s32 s21, s20  }
0x14: {  	s28 =	sshrl.u32 s23, $0x3;
	s29 =	sshll.u32 s22, $0x7;
	s13 =	sshrl.u32 s13, $0x3  }
0x15: {  	s14 =	sshrl.u32 s14, $0x3;
	s22 =	simm.s32 $0x80;
	s23 =	simm.s32 $0x1  }
0x16: {  	s10 =	sadd.s32 s11, s25;
	s26 =	sshrl.u32 s21, $0x3;
	s12 =	sadd.s32 s15, s28  }
0x17: {  	s20 =	sadd.s32 s20, s29;
	s13 =	sadd.s32 s15, s13;
	s14 =	sadd.s32 s15, s14  }
0x18: {  	s21 =	simm.s32 $0x4100;
	s25 =	simm.s32 $0x0;
	s20 =	sshrl.u32 s20, $0x3  }
0x19: {  	s11 =	sadd.s32 s15, s26;
	s15 =	sadd.s32 s15, s20;
	s20 =	simm.s32 $0x3  }
.LBB2_1:
0x1a: {  	[tilespmem:s19], [sflag:$0x3] =	stream.linear.gather [hbm4b:s5+s2], $0x4000, $0x38;
	[tilespmem:$0x18180] =	vst v63  }
0x1b: {  	_ =	swait.ge [sflag:s20], $0x4000  }
0x1c: {  	[sflag:s20] =	ssyncset.done $0x0  }
0x1d: {  	[sflag:s20] =	ssyncadd.s32 $0xFFFFC000  }
0x1e: {  	[tilespmem:s21], [sflag:$0x3] =	stream.linear.gather [hbm4b:s5+s2], $0x80, $0x38;
	[tilespmem:$0x18180] =	vst v63  }
0x1f: {  	_ =	swait.ge [sflag:s20], $0x80  }
0x20: {  	[sflag:s20] =	ssyncset.done $0x0  }
0x21: {  	[sflag:s20] =	ssyncadd.s32 $0xFFFFFF80  }
0x22: {  	[tilespmem:s2], [sflag:$0x3] =	stream.linear.gather [hbm4b:s6+s2], $0x80, $0x38;
	[tilespmem:$0x18180] =	vst v63  }
0x23: {  	_ =	swait.ge [sflag:s20], $0x80  }
0x24: {  	[sflag:s20] =	ssyncset.done $0x0  }
0x25: {  	[sflag:s20] =	ssyncadd.s32 $0xFFFFFF80  }
0x26: {  	[spmem:s1] =	stream.indirect.scatter [tilespmem:s19], [sflag:$0x3], $0x80, s2, s22, $0xb8;
	[tilespmem:$0x18180] =	vst v63  }
0x27: {  	_ =	swait.ge [sflag:s20], $0x4000  }
0x28: {  	[sflag:s20] =	ssyncset.done $0x0  }
0x29: {  	[sflag:s20] =	ssyncadd.s32 $0xFFFFC000  }
0x2a: {  	[tilespmem:s2], [sflag:$0x3] =	stream.linear.gather [hbm4b:s7+s2], $0x80, $0x38;
	[tilespmem:$0x18180] =	vst v63  }
0x2b: {  	_ =	swait.ge [sflag:s20], $0x80  }
0x2c: {  	[sflag:s20] =	ssyncset.done $0x0  }
0x2d: {  	[sflag:s20] =	ssyncadd.s32 $0xFFFFFF80  }
0x2e: {  	[spmem:s1] =	stream.indirect.scatter [tilespmem:s19], [sflag:$0x3], $0x80, s2, s22, $0xb8;
	[tilespmem:$0x18180] =	vst v63  }
0x2f: {  	_ =	swait.ge [sflag:s20], $0x4000  }
0x30: {  	[sflag:s20] =	ssyncset.done $0x0  }
0x31: {  	[sflag:s20] =	ssyncadd.s32 $0xFFFFC000  }
0x32: {  	[tilespmem:s2], [sflag:$0x3] =	stream.linear.gather [hbm4b:s8+s2], $0x80, $0x38;
	[tilespmem:$0x18180] =	vst v63  }
0x33: {  	_ =	swait.ge [sflag:s20], $0x80  }
0x34: {  	[sflag:s20] =	ssyncset.done $0x0  }
0x35: {  	[sflag:s20] =	ssyncadd.s32 $0xFFFFFF80  }
0x36: {  	[spmem:s1] =	stream.indirect.scatter [tilespmem:s19], [sflag:$0x3], $0x80, s2, s22, $0xb8;
	[tilespmem:$0x18180] =	vst v63  }
0x37: {  	_ =	swait.ge [sflag:s20], $0x4000  }
0x38: {  	[sflag:s20] =	ssyncset.done $0x0  }
0x39: {  	[sflag:s20] =	ssyncadd.s32 $0xFFFFC000  }
0x3a: {  	[tilespmem:s2], [sflag:$0x3] =	stream.linear.gather [hbm4b:s9+s2], $0x80, $0x38;
	[tilespmem:$0x18180] =	vst v63  }
0x3b: {  	_ =	swait.ge [sflag:s20], $0x80  }
0x3c: {  	[sflag:s20] =	ssyncset.done $0x0  }
0x3d: {  	[sflag:s20] =	ssyncadd.s32 $0xFFFFFF80  }
0x3e: {  	[spmem:s1] =	stream.indirect.scatter [tilespmem:s19], [sflag:$0x3], $0x80, s2, s22, $0xb8;
	[tilespmem:$0x18180] =	vst v63  }
0x3f: {  	_ =	swait.ge [sflag:s20], $0x4000  }
0x40: {  	[sflag:s20] =	ssyncset.done $0x0  }
0x41: {  	[sflag:s20] =	ssyncadd.s32 $0xFFFFC000  }
0x42: {  	[tilespmem:s2], [sflag:$0x3] =	stream.linear.gather [hbm4b:s10+s2], $0x80, $0x38;
	[tilespmem:$0x18180] =	vst v63  }
0x43: {  	_ =	swait.ge [sflag:s20], $0x80  }
0x44: {  	[sflag:s20] =	ssyncset.done $0x0  }
0x45: {  	[sflag:s20] =	ssyncadd.s32 $0xFFFFFF80  }
0x46: {  	[spmem:s1] =	stream.indirect.scatter [tilespmem:s19], [sflag:$0x3], $0x80, s2, s22, $0xb8;
	[tilespmem:$0x18180] =	vst v63  }
0x47: {  	_ =	swait.ge [sflag:s20], $0x4000  }
0x48: {  	[sflag:s20] =	ssyncset.done $0x0  }
0x49: {  	[sflag:s20] =	ssyncadd.s32 $0xFFFFC000  }
0x4a: {  	s26 =	sadd.s32 $0x0, s18;
	[bflag:$0x0] =	sbarrier.arrive $0xFFFF  }
0x4b: {  	[tilespmem:s22], [sflag:$0x2] =	stream.linear.gather [hbm4b:s26+s2], $0x80, $0x38;
	[tilespmem:$0x18180] =	vst v63  }
0x4c: {  	s31 =	sadd.s32 $0x0, s17  }
0x4d: {  	[tilespmem:s2], [sflag:$0x3] =	stream.linear.gather [hbm4b:s31+s2], $0x80, $0x38;
	[tilespmem:$0x18180] =	vst v63  }
0x4e: {  	_ =	swait.ge [sflag:s20], $0x80  }
0x4f: {  	[sflag:s20] =	ssyncset.done $0x0  }
0x50: {  	[sflag:s20] =	ssyncadd.s32 $0xFFFFFF80  }
0x51: {  	[tilespmem:s19], [sflag:$0x1] =	stream.indirect.gather [hbm4b:s4+s22], $0x80, s2, s22, $0xb8;
	[tilespmem:$0x18180] =	vst v63  }
0x52: {  	_ =	swait.ge [sflag:s23], $0x4000  }
0x53: {  	[sflag:s23] =	ssyncset.done $0x0  }
0x54: {  	[sflag:s23] =	ssyncadd.s32 $0xFFFFC000  }
0x55: {  	_ =	swait.ge [sflag:s24], $0x80  }
0x56: {  	[sflag:s24] =	ssyncset.done $0x0  }
0x57: {  	[sflag:s24] =	ssyncadd.s32 $0xFFFFFF80  }
0x58: {  	[spmem:s1] =	stream.indirect.scatter.add.f32 [tilespmem:s19], [sflag:$0x3], $0x80, s22, s22, $0xb8;
	[tilespmem:$0x18180] =	vst v63  }
0x59: {  	_ =	swait.ge [sflag:s20], $0x4000  }
0x5a: {  	s28 =	simm.s32 $0x20;
	s26 =	simm.s32 $0x10;
	[sflag:s20] =	ssyncset.done $0x0  }
.LBB2_2:
0x5b: {  	s29 =	sadd.s32 s26, s18  }
0x5c: {  	[sflag:s20] =	ssyncadd.s32 $0xFFFFC000;
	s30 =	smov.u32 s28;
	s31 =	sadd.s32 $0x10, s28  }
0x5d: {  	[tilespmem:s22], [sflag:$0x2] =	stream.linear.gather [hbm4b:s29+s2], $0x80, $0x38;
	[tilespmem:$0x18180] =	vst v63  }
0x5e: {  	p0 =	sne.s32 s28, $0x4E0;
	s28 =	sadd.s32 s26, s17;
	s26 =	smov.u32 s30  }
0x5f: {  	[tilespmem:s2], [sflag:$0x3] =	stream.linear.gather [hbm4b:s28+s2], $0x80, $0x38;
	[tilespmem:$0x18180] =	vst v63  }
0x60: {  	_ =	swait.ge [sflag:s20], $0x80  }
0x61: {  	[sflag:s20] =	ssyncset.done $0x0  }
0x62: {  	[sflag:s20] =	ssyncadd.s32 $0xFFFFFF80  }
0x63: {  	[tilespmem:s19], [sflag:$0x1] =	stream.indirect.gather [hbm4b:s4+s22], $0x80, s2, s22, $0xb8;
	[tilespmem:$0x18180] =	vst v63  }
0x64: {  	_ =	swait.ge [sflag:s23], $0x4000  }
0x65: {  	[sflag:s23] =	ssyncset.done $0x0  }
0x66: {  	[sflag:s23] =	ssyncadd.s32 $0xFFFFC000  }
0x67: {  	_ =	swait.ge [sflag:s24], $0x80  }
.Ltmp0:
0x68: {  	[sflag:s24] =	ssyncset.done $0x0;
	(pc) =	sbr.rel @p0 .LBB2_2-.Ltmp0, $4  }
0x69: {  	[sflag:s24] =	ssyncadd.s32 $0xFFFFFF80  }
0x6a: {  	[spmem:s1] =	stream.indirect.scatter.add.f32 [tilespmem:s19], [sflag:$0x3], $0x80, s22, s22, $0xb8;
	[tilespmem:$0x18180] =	vst v63  }
0x6b: {  	_ =	swait.ge [sflag:s20], $0x4000  }
0x6c: {  	s28 =	smov.u32 s31;
	[sflag:s20] =	ssyncset.done $0x0  }
0x6d: {  	s28 =	sadd.s32 s26, s18;
	[sflag:s20] =	ssyncadd.s32 $0xFFFFC000  }
0x6e: {  	[tilespmem:s22], [sflag:$0x2] =	stream.linear.gather [hbm4b:s28+s2], $0x80, $0x38;
	[tilespmem:$0x18180] =	vst v63  }
0x6f: {  	s31 =	sadd.s32 s26, s17  }
0x70: {  	[tilespmem:s2], [sflag:$0x3] =	stream.linear.gather [hbm4b:s31+s2], $0x80, $0x38;
	[tilespmem:$0x18180] =	vst v63  }
0x71: {  	_ =	swait.ge [sflag:s20], $0x80  }
0x72: {  	[sflag:s20] =	ssyncset.done $0x0  }
0x73: {  	[sflag:s20] =	ssyncadd.s32 $0xFFFFFF80  }
0x74: {  	[tilespmem:s19], [sflag:$0x1] =	stream.indirect.gather [hbm4b:s4+s22], $0x80, s2, s22, $0xb8;
	[tilespmem:$0x18180] =	vst v63  }
0x75: {  	_ =	swait.ge [sflag:s23], $0x4000  }
0x76: {  	[sflag:s23] =	ssyncset.done $0x0  }
0x77: {  	[sflag:s23] =	ssyncadd.s32 $0xFFFFC000  }
0x78: {  	_ =	swait.ge [sflag:s24], $0x80  }
0x79: {  	[sflag:s24] =	ssyncset.done $0x0  }
0x7a: {  	[sflag:s24] =	ssyncadd.s32 $0xFFFFFF80  }
0x7b: {  	[spmem:s1] =	stream.indirect.scatter.add.f32 [tilespmem:s19], [sflag:$0x3], $0x80, s22, s22, $0xb8;
	[tilespmem:$0x18180] =	vst v63  }
0x7c: {  	_ =	swait.ge [sflag:s20], $0x4000  }
0x7d: {  	[sflag:s20] =	ssyncset.done $0x0  }
0x7e: {  	[sflag:s20] =	ssyncadd.s32 $0xFFFFC000  }
0x7f: {  	[bflag:$0x0] =	sbarrier.arrive $0xFFFF  }
0x80: {  	[tilespmem:s2], [sflag:$0x3] =	stream.linear.gather [hbm4b:s6+s2], $0x80, $0x38;
	[tilespmem:$0x18180] =	vst v63  }
0x81: {  	_ =	swait.ge [sflag:s20], $0x80  }
0x82: {  	[sflag:s20] =	ssyncset.done $0x0  }
0x83: {  	[sflag:s20] =	ssyncadd.s32 $0xFFFFFF80  }
0x84: {  	[tilespmem:s19], [sflag:$0x1] =	stream.indirect.gather [spmem:s1], $0x80, s2, s22, $0xb8;
	[tilespmem:$0x18180] =	vst v63  }
0x85: {  	_ =	swait.ge [sflag:s23], $0x4000  }
0x86: {  	[sflag:s23] =	ssyncset.done $0x0  }
0x87: {  	[sflag:s23] =	ssyncadd.s32 $0xFFFFC000  }
0x88: {  	[hbm4b:s11+s2] =	stream.linear.scatter [tilespmem:s19], [sflag:$0x3], $0x4000, $0x38;
	[tilespmem:$0x18180] =	vst v63  }
0x89: {  	_ =	swait.ge [sflag:s20], $0x4000  }
0x8a: {  	[sflag:s20] =	ssyncset.done $0x0  }
0x8b: {  	[sflag:s20] =	ssyncadd.s32 $0xFFFFC000  }
0x8c: {  	[tilespmem:s2], [sflag:$0x3] =	stream.linear.gather [hbm4b:s7+s2], $0x80, $0x38;
	[tilespmem:$0x18180] =	vst v63  }
0x8d: {  	_ =	swait.ge [sflag:s20], $0x80  }
0x8e: {  	[sflag:s20] =	ssyncset.done $0x0  }
0x8f: {  	[sflag:s20] =	ssyncadd.s32 $0xFFFFFF80  }
0x90: {  	[tilespmem:s19], [sflag:$0x1] =	stream.indirect.gather [spmem:s1], $0x80, s2, s22, $0xb8;
	[tilespmem:$0x18180] =	vst v63  }
0x91: {  	_ =	swait.ge [sflag:s23], $0x4000  }
0x92: {  	[sflag:s23] =	ssyncset.done $0x0  }
0x93: {  	[sflag:s23] =	ssyncadd.s32 $0xFFFFC000  }
0x94: {  	[hbm4b:s12+s2] =	stream.linear.scatter [tilespmem:s19], [sflag:$0x3], $0x4000, $0x38;
	[tilespmem:$0x18180] =	vst v63  }
0x95: {  	_ =	swait.ge [sflag:s20], $0x4000  }
0x96: {  	[sflag:s20] =	ssyncset.done $0x0  }
0x97: {  	[sflag:s20] =	ssyncadd.s32 $0xFFFFC000  }
0x98: {  	[tilespmem:s2], [sflag:$0x3] =	stream.linear.gather [hbm4b:s8+s2], $0x80, $0x38;
	[tilespmem:$0x18180] =	vst v63  }
0x99: {  	_ =	swait.ge [sflag:s20], $0x80  }
0x9a: {  	[sflag:s20] =	ssyncset.done $0x0  }
0x9b: {  	[sflag:s20] =	ssyncadd.s32 $0xFFFFFF80  }
0x9c: {  	[tilespmem:s19], [sflag:$0x1] =	stream.indirect.gather [spmem:s1], $0x80, s2, s22, $0xb8;
	[tilespmem:$0x18180] =	vst v63  }
0x9d: {  	_ =	swait.ge [sflag:s23], $0x4000  }
0x9e: {  	[sflag:s23] =	ssyncset.done $0x0  }
0x9f: {  	[sflag:s23] =	ssyncadd.s32 $0xFFFFC000  }
0xa0: {  	[hbm4b:s13+s2] =	stream.linear.scatter [tilespmem:s19], [sflag:$0x3], $0x4000, $0x38;
	[tilespmem:$0x18180] =	vst v63  }
0xa1: {  	_ =	swait.ge [sflag:s20], $0x4000  }
0xa2: {  	[sflag:s20] =	ssyncset.done $0x0  }
0xa3: {  	[sflag:s20] =	ssyncadd.s32 $0xFFFFC000  }
0xa4: {  	[tilespmem:s2], [sflag:$0x3] =	stream.linear.gather [hbm4b:s9+s2], $0x80, $0x38;
	[tilespmem:$0x18180] =	vst v63  }
0xa5: {  	_ =	swait.ge [sflag:s20], $0x80  }
0xa6: {  	[sflag:s20] =	ssyncset.done $0x0  }
0xa7: {  	[sflag:s20] =	ssyncadd.s32 $0xFFFFFF80  }
0xa8: {  	[tilespmem:s19], [sflag:$0x1] =	stream.indirect.gather [spmem:s1], $0x80, s2, s22, $0xb8;
	[tilespmem:$0x18180] =	vst v63  }
0xa9: {  	_ =	swait.ge [sflag:s23], $0x4000  }
0xaa: {  	[sflag:s23] =	ssyncset.done $0x0  }
0xab: {  	[sflag:s23] =	ssyncadd.s32 $0xFFFFC000  }
0xac: {  	[hbm4b:s14+s2] =	stream.linear.scatter [tilespmem:s19], [sflag:$0x3], $0x4000, $0x38;
	[tilespmem:$0x18180] =	vst v63  }
0xad: {  	_ =	swait.ge [sflag:s20], $0x4000  }
0xae: {  	[sflag:s20] =	ssyncset.done $0x0  }
0xaf: {  	[sflag:s20] =	ssyncadd.s32 $0xFFFFC000  }
0xb0: {  	[tilespmem:s2], [sflag:$0x3] =	stream.linear.gather [hbm4b:s10+s2], $0x80, $0x38;
	[tilespmem:$0x18180] =	vst v63  }
0xb1: {  	_ =	swait.ge [sflag:s20], $0x80  }
0xb2: {  	[sflag:s20] =	ssyncset.done $0x0  }
0xb3: {  	[sflag:s20] =	ssyncadd.s32 $0xFFFFFF80  }
0xb4: {  	[tilespmem:s19], [sflag:$0x1] =	stream.indirect.gather [spmem:s1], $0x80, s2, s22, $0xb8;
	[tilespmem:$0x18180] =	vst v63  }
0xb5: {  	s25 =	sadd.s32 $0x1, s25;
	_ =	swait.ge [sflag:s23], $0x4000  }
0xb6: {  	p0 =	sne.s32 s25, s16;
	[sflag:s23] =	ssyncset.done $0x0  }
.Ltmp1:
0xb7: {  	[sflag:s23] =	ssyncadd.s32 $0xFFFFC000;
	(pc) =	sbr.rel @p0 .LBB2_1-.Ltmp1, $4  }
0xb8: {  	[hbm4b:s15+s2] =	stream.linear.scatter [tilespmem:s19], [sflag:$0x3], $0x4000, $0x38;
	[tilespmem:$0x18180] =	vst v63  }
0xb9: {  	_ =	swait.ge [sflag:s20], $0x4000  }
0xba: {  	[sflag:s20] =	ssyncset.done $0x0  }
0xbb: {  	[sflag:s20] =	ssyncadd.s32 $0xFFFFC000  }
0xbc: {  	_ =	sfence.sel $0x180000  }
0xbd: {  	[bflag:$0x0] =	sbarrier.arrive $0xFFFF  }
0xbe: {  	p0 =	sne.s32 s3, $0x0;
	_ =	strace $0x9000004A  }
0xbf: {  	s0 =	sadd.s32 @!p0 $0x100000, s0;
	[bflag:$0x2] =	sbarrier.arrive $0xFFFF  }
0xc0: {  	[sflag:s0] =	ssyncadd.tile.s32 @!p0 $0x1;
	_ =	shalt  }
.Lfunc_end2:
_tile_overlayer_lowered:
.L_overlay_start_2:
0xc1: {  	(tag) =	ssettag $0x2  }
0xc2: {  	s0 =	rddreg [dreg:$0x0];
	s2 =	stileid.u32  }
0xc3: {  	s1 =	rddreg [dreg:$0x1];
	p0 =	sne.s32 s2, $0x0  }
0xc4: {  	s3 =	rddreg [dreg:$0x2];
	[bflag:$0x3] =	sbarrier.arrive $0xFFFF;
	s2 =	simm.s32 @!p0 $0x1C03  }
0xc5: {  	[timem:s3], [sflag:s2] =	dma.local @!p0 [hbm:s0], s1  }
0xc6: {  	s0 =	simm.s32 @!p0 $0x3  }
0xc7: {  	_ =	swait.ge @!p0 [sflag:s0], s1  }
0xc8: {  	s1 =	ssub.s32 @!p0 $0x0, s1;
	[sflag:s0] =	ssyncset.done @!p0 $0x0  }
0xc9: {  	[sflag:s0] =	ssyncadd.s32 @!p0 s1  }
0xca: {  	[bflag:$0x3] =	sbarrier.arrive $0xFFFF  }
0xcb: {  	_ =	shalt  }

</sc_bundles>
